<compile_context>
chip_gen: v7x
topology: tpu7x:2x2x1
jax: 0.10.2.dev20260603
libtpu: 0.0.44.dev20260713+nightly
codegen_flags: <defaults>
</compile_context>

<pallas_src>
import jax
import jax.numpy as jnp
from jax import lax
from jax.experimental import pallas as pl
from jax.experimental.pallas import tpu as pltpu
from jax.experimental.pallas import tpu_sc as plsc

NUM_CLASSES = 21
NBINS = NUM_CLASSES * NUM_CLASSES
HBINS = 448
LANES = 16
NWORKERS = 32
N_PIXELS = 16 * 512 * 512
PER_WORKER = N_PIXELS // NWORKERS
CHUNK = 16384
NCHUNKS = PER_WORKER // CHUNK
VECS_PER_CHUNK = CHUNK // LANES
UNROLL = 8


def _body(pred_hbm, lab_hbm, out_hbm,
          pred_a, pred_b, lab_a, lab_b, hist_v, merged_v, sem0, sem1):
    wid = lax.axis_index("s") * 2 + lax.axis_index("c")
    base = wid * PER_WORKER

    lane = lax.iota(jnp.int32, LANES)
    lane_base = lane * HBINS
    ones = jnp.full((LANES,), 1, jnp.int32)
    zeros = jnp.zeros((LANES,), jnp.int32)

    @plsc.parallel_loop(0, (LANES * HBINS) // LANES)
    def _(j):
        hist_v[pl.ds(j * LANES, LANES)] = zeros

    pred_bufs = (pred_a, pred_b)
    lab_bufs = (lab_a, lab_b)

    pltpu.async_copy(pred_hbm.at[pl.ds(base, CHUNK)], pred_a, sem0)
    pltpu.async_copy(lab_hbm.at[pl.ds(base, CHUNK)], lab_a, sem1)

    for c in range(NCHUNKS):
        pv = pred_bufs[c % 2]
        lv = lab_bufs[c % 2]

        if c + 1 < NCHUNKS:
            pltpu.async_copy(
                pred_hbm.at[pl.ds(base + (c + 1) * CHUNK, CHUNK)],
                pred_bufs[(c + 1) % 2], sem0)
            pltpu.async_copy(
                lab_hbm.at[pl.ds(base + (c + 1) * CHUNK, CHUNK)],
                lab_bufs[(c + 1) % 2], sem1)

        pltpu.make_async_copy(pred_hbm.at[pl.ds(base, CHUNK)], pv, sem0).wait()
        pltpu.make_async_copy(lab_hbm.at[pl.ds(base, CHUNK)], lv, sem1).wait()

        @plsc.parallel_loop(0, VECS_PER_CHUNK, unroll=UNROLL)
        def _(i):
            off = i * LANES
            p = pv[pl.ds(off, LANES)]
            l = lv[pl.ds(off, LANES)]
            idx = lane_base + l * NUM_CLASSES + p
            plsc.addupdate_scatter(hist_v, [idx], ones)

    @plsc.parallel_loop(0, HBINS // LANES)
    def _(j):
        off = j * LANES
        acc = hist_v[pl.ds(off, LANES)]
        for ln in range(1, LANES):
            acc = acc + hist_v[pl.ds(ln * HBINS + off, LANES)]
        merged_v[pl.ds(off, LANES)] = acc

    pltpu.sync_copy(merged_v, out_hbm.at[wid])


@jax.jit
def _run(pred_flat, lab_flat):
    mesh = plsc.VectorSubcoreMesh(core_axis_name="c", subcore_axis_name="s")
    partials = pl.kernel(
        _body,
        mesh=mesh,
        out_type=jax.ShapeDtypeStruct((NWORKERS, HBINS), jnp.int32),
        compiler_params=pltpu.CompilerParams(needs_layout_passes=False),
        scratch_types=[
            pltpu.VMEM((CHUNK,), jnp.int32),
            pltpu.VMEM((CHUNK,), jnp.int32),
            pltpu.VMEM((CHUNK,), jnp.int32),
            pltpu.VMEM((CHUNK,), jnp.int32),
            pltpu.VMEM((LANES * HBINS,), jnp.int32),
            pltpu.VMEM((HBINS,), jnp.int32),
            pltpu.SemaphoreType.DMA,
            pltpu.SemaphoreType.DMA,
        ],
    )(pred_flat, lab_flat)
    return partials.sum(axis=0)[:NBINS].reshape(NUM_CLASSES, NUM_CLASSES)


def kernel(imgPredict, imgLabel):
    pred_flat = imgPredict.reshape(-1)
    lab_flat = imgLabel.reshape(-1)
    return _run(pred_flat, lab_flat)

# --- scband reference (transcript-rebuilt; emitter-appended) ---
"""Pipeline reference for scband-segmentation-metric-18159121727887 (READ-ONLY COPY).

The authoritative reference and input builder live on the scoring server;
editing this copy changes nothing except your own understanding.
"""

import jax, jax.numpy as jnp
import numpy as np

NUM_CLASSES = 21

def setup_inputs(seed: int = 0) -> dict:
    key = jax.random.key(seed)
    k1, k2 = jax.random.split(key)
    imgPredict = jax.random.randint(k1, (16, 1, 512, 512), 0, NUM_CLASSES, dtype=jnp.int64 if jax.config.jax_enable_x64 else jnp.int32).astype(jnp.int32)
    imgLabel = jax.random.randint(k2, (16, 1, 512, 512), 0, NUM_CLASSES, dtype=jnp.int64 if jax.config.jax_enable_x64 else jnp.int32).astype(jnp.int32)
    return {"imgPredict": imgPredict, "imgLabel": imgLabel}

def reference(imgPredict, imgLabel):
    # addBatch: squeeze channel dim
    pred = jnp.squeeze(imgPredict, axis=1)
    lab = jnp.squeeze(imgLabel, axis=1)
    assert pred.shape == lab.shape
    # genConfusionMatrix
    label = NUM_CLASSES * lab.reshape(-1) + pred.reshape(-1)
    label = label.astype(jnp.int32)
    count = jnp.bincount(label, minlength=NUM_CLASSES ** 2, length=NUM_CLASSES ** 2)
    confusionMatrix = count.reshape(NUM_CLASSES, NUM_CLASSES)
    # self.confusionMatrix starts at zeros and is incremented by this batch
    return jnp.zeros((NUM_CLASSES, NUM_CLASSES), dtype=confusionMatrix.dtype) + confusionMatrix

if __name__ == "__main__":
    import jax
    _d = setup_inputs()
    print(jax.jit(kernel)(*tuple(_d.values())))

</pallas_src>

<mosaic_0001>
#map = affine_map<(d0, d1) -> (0)>
#map1 = affine_map<(d0, d1) -> (0, 0)>
module attributes {stable_mosaic.version = 14 : i64} {
  func.func @_body(%arg0: i32, %arg1: i32, %arg2: memref<4194304xi32, #tpu.memory_space<hbm>>, %arg3: memref<4194304xi32, #tpu.memory_space<hbm>>, %arg4: memref<32x448xi32, #tpu.memory_space<hbm>>, %arg5: memref<16384xi32, #tpu.memory_space<vmem>>, %arg6: memref<16384xi32, #tpu.memory_space<vmem>>, %arg7: memref<16384xi32, #tpu.memory_space<vmem>>, %arg8: memref<16384xi32, #tpu.memory_space<vmem>>, %arg9: memref<7168xi32, #tpu.memory_space<vmem>>, %arg10: memref<448xi32, #tpu.memory_space<vmem>>, %arg11: memref<!tpu.dma_semaphore, #tpu.memory_space<semaphore_mem>>, %arg12: memref<!tpu.dma_semaphore, #tpu.memory_space<semaphore_mem>>) attributes {dimension_semantics = [#tpu.dimension_semantics<core_parallel>, #tpu.dimension_semantics<subcore_parallel>], iteration_bounds = array<i64: 2, 16>, scalar_prefetch = 0 : i64, scratch_operands = 8 : i64, tpu.core_type = #tpu.core_type<sc_vector_subcore>, window_params = [{transform_indices = #map}, {transform_indices = #map}, {transform_indices = #map1}]} {
    %mul3A = arith.constant 2 : i32
    %mul3A_0 = arith.muli %arg1, %mul3A : i32
    %add3A = arith.addi %mul3A_0, %arg0 : i32
    %mul3A_1 = arith.constant 131072 : i32
    %mul3A_2 = arith.muli %add3A, %mul3A_1 : i32
    %iota3A = tpu.iota {dimensions = array<i32: 0>} : vector<16xi32>
    %mul3A_3 = arith.constant 448 : i32
    %mul3A_4 = vector.broadcast %mul3A_3 : i32 to vector<16xi32>
    %mul3A_5 = arith.muli %iota3A, %mul3A_4 : vector<16xi32>
    %broadcast_in_dim3A = arith.constant 1 : i32
    %broadcast_in_dim3A_6 = vector.broadcast %broadcast_in_dim3A : i32 to vector<16xi32>
    %broadcast_in_dim3A_7 = arith.constant 0 : i32
    %broadcast_in_dim3A_8 = vector.broadcast %broadcast_in_dim3A_7 : i32 to vector<16xi32>
    %parallel_loop3A = arith.constant 0 : i32
    %parallel_loop3A_9 = arith.constant 448 : i32
    %parallel_loop3A_10 = arith.constant 1 : i32
    scf.for %parallel_loop3A_128 = %parallel_loop3A to %parallel_loop3A_9 step %parallel_loop3A_10  : i32 {
      %parallel_loop3A_129 = arith.constant 16 : i32
      %parallel_loop3A_130 = arith.muli %parallel_loop3A_128, %parallel_loop3A_129 : i32
      %parallel_loop3A_131 = arith.index_cast %parallel_loop3A_130 : i32 to index
      %parallel_loop3A_132 = tpu.vector_load %arg9[%parallel_loop3A_131] {strides = array<i32>} : memref<7168xi32, #tpu.memory_space<vmem>>, vector<16xi32>,
      tpu.vector_store %arg9[%parallel_loop3A_131], %broadcast_in_dim3A_8 {strides = array<i32>} : memref<7168xi32, #tpu.memory_space<vmem>>, vector<16xi32>,
    } {sc.loop_unroll_factor = 1 : i64, sc.parallel_access}
    %dma_start3A = tpu.memref_slice %arg2[%mul3A_2] : memref<4194304xi32, #tpu.memory_space<hbm>> -> memref<16384xi32, #tpu.memory_space<hbm>>
    %dma_start3A_11 = tpu.memref_slice %arg2[%mul3A_2] : memref<4194304xi32, #tpu.memory_space<hbm>> -> memref<16384xi32, #tpu.memory_space<hbm>>
    tpu.enqueue_dma source(%dma_start3A_11 : memref<16384xi32, #tpu.memory_space<hbm>>) target(%arg5 : memref<16384xi32, #tpu.memory_space<vmem>>) target_semaphore(%arg11 : memref<!tpu.dma_semaphore, #tpu.memory_space<semaphore_mem>>)
    %dma_start3A_12 = tpu.memref_slice %arg3[%mul3A_2] : memref<4194304xi32, #tpu.memory_space<hbm>> -> memref<16384xi32, #tpu.memory_space<hbm>>
    %dma_start3A_13 = tpu.memref_slice %arg3[%mul3A_2] : memref<4194304xi32, #tpu.memory_space<hbm>> -> memref<16384xi32, #tpu.memory_space<hbm>>
    tpu.enqueue_dma source(%dma_start3A_13 : memref<16384xi32, #tpu.memory_space<hbm>>) target(%arg7 : memref<16384xi32, #tpu.memory_space<vmem>>) target_semaphore(%arg12 : memref<!tpu.dma_semaphore, #tpu.memory_space<semaphore_mem>>)
    %add3A_14 = arith.constant 16384 : i32
    %add3A_15 = arith.addi %mul3A_2, %add3A_14 : i32
    %dma_start3A_16 = tpu.memref_slice %arg2[%add3A_15] : memref<4194304xi32, #tpu.memory_space<hbm>> -> memref<16384xi32, #tpu.memory_space<hbm>>
    %dma_start3A_17 = tpu.memref_slice %arg2[%add3A_15] : memref<4194304xi32, #tpu.memory_space<hbm>> -> memref<16384xi32, #tpu.memory_space<hbm>>
    tpu.enqueue_dma source(%dma_start3A_17 : memref<16384xi32, #tpu.memory_space<hbm>>) target(%arg6 : memref<16384xi32, #tpu.memory_space<vmem>>) target_semaphore(%arg11 : memref<!tpu.dma_semaphore, #tpu.memory_space<semaphore_mem>>)
    %add3A_18 = arith.constant 16384 : i32
    %add3A_19 = arith.addi %mul3A_2, %add3A_18 : i32
    %dma_start3A_20 = tpu.memref_slice %arg3[%add3A_19] : memref<4194304xi32, #tpu.memory_space<hbm>> -> memref<16384xi32, #tpu.memory_space<hbm>>
    %dma_start3A_21 = tpu.memref_slice %arg3[%add3A_19] : memref<4194304xi32, #tpu.memory_space<hbm>> -> memref<16384xi32, #tpu.memory_space<hbm>>
    tpu.enqueue_dma source(%dma_start3A_21 : memref<16384xi32, #tpu.memory_space<hbm>>) target(%arg8 : memref<16384xi32, #tpu.memory_space<vmem>>) target_semaphore(%arg12 : memref<!tpu.dma_semaphore, #tpu.memory_space<semaphore_mem>>)
    %dma_wait3A = tpu.memref_slice %arg2[%mul3A_2] : memref<4194304xi32, #tpu.memory_space<hbm>> -> memref<16384xi32, #tpu.memory_space<hbm>>
    %dma_wait3A_22 = tpu.memref_slice %arg2[%mul3A_2] : memref<4194304xi32, #tpu.memory_space<hbm>> -> memref<16384xi32, #tpu.memory_space<hbm>>
    tpu.wait_dma2 semaphore(%arg11 : memref<!tpu.dma_semaphore, #tpu.memory_space<semaphore_mem>>) src(%dma_wait3A_22 : memref<16384xi32, #tpu.memory_space<hbm>>) dst(%arg5 : memref<16384xi32, #tpu.memory_space<vmem>>)
    %dma_wait3A_23 = tpu.memref_slice %arg3[%mul3A_2] : memref<4194304xi32, #tpu.memory_space<hbm>> -> memref<16384xi32, #tpu.memory_space<hbm>>
    %dma_wait3A_24 = tpu.memref_slice %arg3[%mul3A_2] : memref<4194304xi32, #tpu.memory_space<hbm>> -> memref<16384xi32, #tpu.memory_space<hbm>>
    tpu.wait_dma2 semaphore(%arg12 : memref<!tpu.dma_semaphore, #tpu.memory_space<semaphore_mem>>) src(%dma_wait3A_24 : memref<16384xi32, #tpu.memory_space<hbm>>) dst(%arg7 : memref<16384xi32, #tpu.memory_space<vmem>>)
    %parallel_loop3A_25 = arith.constant 0 : i32
    %parallel_loop3A_26 = arith.constant 1024 : i32
    %parallel_loop3A_27 = arith.constant 1 : i32
    scf.for %parallel_loop3A_128 = %parallel_loop3A_25 to %parallel_loop3A_26 step %parallel_loop3A_27  : i32 {
      %parallel_loop3A_129 = arith.constant 16 : i32
      %parallel_loop3A_130 = arith.muli %parallel_loop3A_128, %parallel_loop3A_129 : i32
      %parallel_loop3A_131 = arith.index_cast %parallel_loop3A_130 : i32 to index
      %parallel_loop3A_132 = tpu.vector_load %arg5[%parallel_loop3A_131] {strides = array<i32>} : memref<16384xi32, #tpu.memory_space<vmem>>, vector<16xi32>,
      %parallel_loop3A_133 = arith.index_cast %parallel_loop3A_130 : i32 to index
      %parallel_loop3A_134 = tpu.vector_load %arg7[%parallel_loop3A_133] {strides = array<i32>} : memref<16384xi32, #tpu.memory_space<vmem>>, vector<16xi32>,
      %parallel_loop3A_135 = arith.constant 21 : i32
      %parallel_loop3A_136 = vector.broadcast %parallel_loop3A_135 : i32 to vector<16xi32>
      %parallel_loop3A_137 = arith.muli %parallel_loop3A_134, %parallel_loop3A_136 : vector<16xi32>
      %parallel_loop3A_138 = arith.addi %mul3A_5, %parallel_loop3A_137 : vector<16xi32>
      %parallel_loop3A_139 = arith.addi %parallel_loop3A_138, %parallel_loop3A_132 : vector<16xi32>
      tpu.vector_store_idx %arg9[%parallel_loop3A_139], %broadcast_in_dim3A_6 {add = true} : memref<7168xi32, #tpu.memory_space<vmem>>[vector<16xi32>], vector<16xi32>,
    } {sc.loop_unroll_factor = 8 : i64, sc.parallel_access}
    %add3A_28 = arith.constant 32768 : i32
    %add3A_29 = arith.addi %mul3A_2, %add3A_28 : i32
    %dma_start3A_30 = tpu.memref_slice %arg2[%add3A_29] : memref<4194304xi32, #tpu.memory_space<hbm>> -> memref<16384xi32, #tpu.memory_space<hbm>>
    %dma_start3A_31 = tpu.memref_slice %arg2[%add3A_29] : memref<4194304xi32, #tpu.memory_space<hbm>> -> memref<16384xi32, #tpu.memory_space<hbm>>
    tpu.enqueue_dma source(%dma_start3A_31 : memref<16384xi32, #tpu.memory_space<hbm>>) target(%arg5 : memref<16384xi32, #tpu.memory_space<vmem>>) target_semaphore(%arg11 : memref<!tpu.dma_semaphore, #tpu.memory_space<semaphore_mem>>)
    %add3A_32 = arith.constant 32768 : i32
    %add3A_33 = arith.addi %mul3A_2, %add3A_32 : i32
    %dma_start3A_34 = tpu.memref_slice %arg3[%add3A_33] : memref<4194304xi32, #tpu.memory_space<hbm>> -> memref<16384xi32, #tpu.memory_space<hbm>>
    %dma_start3A_35 = tpu.memref_slice %arg3[%add3A_33] : memref<4194304xi32, #tpu.memory_space<hbm>> -> memref<16384xi32, #tpu.memory_space<hbm>>
    tpu.enqueue_dma source(%dma_start3A_35 : memref<16384xi32, #tpu.memory_space<hbm>>) target(%arg7 : memref<16384xi32, #tpu.memory_space<vmem>>) target_semaphore(%arg12 : memref<!tpu.dma_semaphore, #tpu.memory_space<semaphore_mem>>)
    %dma_wait3A_36 = tpu.memref_slice %arg2[%mul3A_2] : memref<4194304xi32, #tpu.memory_space<hbm>> -> memref<16384xi32, #tpu.memory_space<hbm>>
    %dma_wait3A_37 = tpu.memref_slice %arg2[%mul3A_2] : memref<4194304xi32, #tpu.memory_space<hbm>> -> memref<16384xi32, #tpu.memory_space<hbm>>
    tpu.wait_dma2 semaphore(%arg11 : memref<!tpu.dma_semaphore, #tpu.memory_space<semaphore_mem>>) src(%dma_wait3A_37 : memref<16384xi32, #tpu.memory_space<hbm>>) dst(%arg6 : memref<16384xi32, #tpu.memory_space<vmem>>)
    %dma_wait3A_38 = tpu.memref_slice %arg3[%mul3A_2] : memref<4194304xi32, #tpu.memory_space<hbm>> -> memref<16384xi32, #tpu.memory_space<hbm>>
    %dma_wait3A_39 = tpu.memref_slice %arg3[%mul3A_2] : memref<4194304xi32, #tpu.memory_space<hbm>> -> memref<16384xi32, #tpu.memory_space<hbm>>
    tpu.wait_dma2 semaphore(%arg12 : memref<!tpu.dma_semaphore, #tpu.memory_space<semaphore_mem>>) src(%dma_wait3A_39 : memref<16384xi32, #tpu.memory_space<hbm>>) dst(%arg8 : memref<16384xi32, #tpu.memory_space<vmem>>)
    %parallel_loop3A_40 = arith.constant 0 : i32
    %parallel_loop3A_41 = arith.constant 1024 : i32
    %parallel_loop3A_42 = arith.constant 1 : i32
    scf.for %parallel_loop3A_128 = %parallel_loop3A_40 to %parallel_loop3A_41 step %parallel_loop3A_42  : i32 {
      %parallel_loop3A_129 = arith.constant 16 : i32
      %parallel_loop3A_130 = arith.muli %parallel_loop3A_128, %parallel_loop3A_129 : i32
      %parallel_loop3A_131 = arith.index_cast %parallel_loop3A_130 : i32 to index
      %parallel_loop3A_132 = tpu.vector_load %arg6[%parallel_loop3A_131] {strides = array<i32>} : memref<16384xi32, #tpu.memory_space<vmem>>, vector<16xi32>,
      %parallel_loop3A_133 = arith.index_cast %parallel_loop3A_130 : i32 to index
      %parallel_loop3A_134 = tpu.vector_load %arg8[%parallel_loop3A_133] {strides = array<i32>} : memref<16384xi32, #tpu.memory_space<vmem>>, vector<16xi32>,
      %parallel_loop3A_135 = arith.constant 21 : i32
      %parallel_loop3A_136 = vector.broadcast %parallel_loop3A_135 : i32 to vector<16xi32>
      %parallel_loop3A_137 = arith.muli %parallel_loop3A_134, %parallel_loop3A_136 : vector<16xi32>
      %parallel_loop3A_138 = arith.addi %mul3A_5, %parallel_loop3A_137 : vector<16xi32>
      %parallel_loop3A_139 = arith.addi %parallel_loop3A_138, %parallel_loop3A_132 : vector<16xi32>
      tpu.vector_store_idx %arg9[%parallel_loop3A_139], %broadcast_in_dim3A_6 {add = true} : memref<7168xi32, #tpu.memory_space<vmem>>[vector<16xi32>], vector<16xi32>,
    } {sc.loop_unroll_factor = 8 : i64, sc.parallel_access}
    %add3A_43 = arith.constant 49152 : i32
    %add3A_44 = arith.addi %mul3A_2, %add3A_43 : i32
    %dma_start3A_45 = tpu.memref_slice %arg2[%add3A_44] : memref<4194304xi32, #tpu.memory_space<hbm>> -> memref<16384xi32, #tpu.memory_space<hbm>>
    %dma_start3A_46 = tpu.memref_slice %arg2[%add3A_44] : memref<4194304xi32, #tpu.memory_space<hbm>> -> memref<16384xi32, #tpu.memory_space<hbm>>
    tpu.enqueue_dma source(%dma_start3A_46 : memref<16384xi32, #tpu.memory_space<hbm>>) target(%arg6 : memref<16384xi32, #tpu.memory_space<vmem>>) target_semaphore(%arg11 : memref<!tpu.dma_semaphore, #tpu.memory_space<semaphore_mem>>)
    %add3A_47 = arith.constant 49152 : i32
    %add3A_48 = arith.addi %mul3A_2, %add3A_47 : i32
    %dma_start3A_49 = tpu.memref_slice %arg3[%add3A_48] : memref<4194304xi32, #tpu.memory_space<hbm>> -> memref<16384xi32, #tpu.memory_space<hbm>>
    %dma_start3A_50 = tpu.memref_slice %arg3[%add3A_48] : memref<4194304xi32, #tpu.memory_space<hbm>> -> memref<16384xi32, #tpu.memory_space<hbm>>
    tpu.enqueue_dma source(%dma_start3A_50 : memref<16384xi32, #tpu.memory_space<hbm>>) target(%arg8 : memref<16384xi32, #tpu.memory_space<vmem>>) target_semaphore(%arg12 : memref<!tpu.dma_semaphore, #tpu.memory_space<semaphore_mem>>)
    %dma_wait3A_51 = tpu.memref_slice %arg2[%mul3A_2] : memref<4194304xi32, #tpu.memory_space<hbm>> -> memref<16384xi32, #tpu.memory_space<hbm>>
    %dma_wait3A_52 = tpu.memref_slice %arg2[%mul3A_2] : memref<4194304xi32, #tpu.memory_space<hbm>> -> memref<16384xi32, #tpu.memory_space<hbm>>
    tpu.wait_dma2 semaphore(%arg11 : memref<!tpu.dma_semaphore, #tpu.memory_space<semaphore_mem>>) src(%dma_wait3A_52 : memref<16384xi32, #tpu.memory_space<hbm>>) dst(%arg5 : memref<16384xi32, #tpu.memory_space<vmem>>)
    %dma_wait3A_53 = tpu.memref_slice %arg3[%mul3A_2] : memref<4194304xi32, #tpu.memory_space<hbm>> -> memref<16384xi32, #tpu.memory_space<hbm>>
    %dma_wait3A_54 = tpu.memref_slice %arg3[%mul3A_2] : memref<4194304xi32, #tpu.memory_space<hbm>> -> memref<16384xi32, #tpu.memory_space<hbm>>
    tpu.wait_dma2 semaphore(%arg12 : memref<!tpu.dma_semaphore, #tpu.memory_space<semaphore_mem>>) src(%dma_wait3A_54 : memref<16384xi32, #tpu.memory_space<hbm>>) dst(%arg7 : memref<16384xi32, #tpu.memory_space<vmem>>)
    %parallel_loop3A_55 = arith.constant 0 : i32
    %parallel_loop3A_56 = arith.constant 1024 : i32
    %parallel_loop3A_57 = arith.constant 1 : i32
    scf.for %parallel_loop3A_128 = %parallel_loop3A_55 to %parallel_loop3A_56 step %parallel_loop3A_57  : i32 {
      %parallel_loop3A_129 = arith.constant 16 : i32
      %parallel_loop3A_130 = arith.muli %parallel_loop3A_128, %parallel_loop3A_129 : i32
      %parallel_loop3A_131 = arith.index_cast %parallel_loop3A_130 : i32 to index
      %parallel_loop3A_132 = tpu.vector_load %arg5[%parallel_loop3A_131] {strides = array<i32>} : memref<16384xi32, #tpu.memory_space<vmem>>, vector<16xi32>,
      %parallel_loop3A_133 = arith.index_cast %parallel_loop3A_130 : i32 to index
      %parallel_loop3A_134 = tpu.vector_load %arg7[%parallel_loop3A_133] {strides = array<i32>} : memref<16384xi32, #tpu.memory_space<vmem>>, vector<16xi32>,
      %parallel_loop3A_135 = arith.constant 21 : i32
      %parallel_loop3A_136 = vector.broadcast %parallel_loop3A_135 : i32 to vector<16xi32>
      %parallel_loop3A_137 = arith.muli %parallel_loop3A_134, %parallel_loop3A_136 : vector<16xi32>
      %parallel_loop3A_138 = arith.addi %mul3A_5, %parallel_loop3A_137 : vector<16xi32>
      %parallel_loop3A_139 = arith.addi %parallel_loop3A_138, %parallel_loop3A_132 : vector<16xi32>
      tpu.vector_store_idx %arg9[%parallel_loop3A_139], %broadcast_in_dim3A_6 {add = true} : memref<7168xi32, #tpu.memory_space<vmem>>[vector<16xi32>], vector<16xi32>,
    } {sc.loop_unroll_factor = 8 : i64, sc.parallel_access}
    %add3A_58 = arith.constant 65536 : i32
    %add3A_59 = arith.addi %mul3A_2, %add3A_58 : i32
    %dma_start3A_60 = tpu.memref_slice %arg2[%add3A_59] : memref<4194304xi32, #tpu.memory_space<hbm>> -> memref<16384xi32, #tpu.memory_space<hbm>>
    %dma_start3A_61 = tpu.memref_slice %arg2[%add3A_59] : memref<4194304xi32, #tpu.memory_space<hbm>> -> memref<16384xi32, #tpu.memory_space<hbm>>
    tpu.enqueue_dma source(%dma_start3A_61 : memref<16384xi32, #tpu.memory_space<hbm>>) target(%arg5 : memref<16384xi32, #tpu.memory_space<vmem>>) target_semaphore(%arg11 : memref<!tpu.dma_semaphore, #tpu.memory_space<semaphore_mem>>)
    %add3A_62 = arith.constant 65536 : i32
    %add3A_63 = arith.addi %mul3A_2, %add3A_62 : i32
    %dma_start3A_64 = tpu.memref_slice %arg3[%add3A_63] : memref<4194304xi32, #tpu.memory_space<hbm>> -> memref<16384xi32, #tpu.memory_space<hbm>>
    %dma_start3A_65 = tpu.memref_slice %arg3[%add3A_63] : memref<4194304xi32, #tpu.memory_space<hbm>> -> memref<16384xi32, #tpu.memory_space<hbm>>
    tpu.enqueue_dma source(%dma_start3A_65 : memref<16384xi32, #tpu.memory_space<hbm>>) target(%arg7 : memref<16384xi32, #tpu.memory_space<vmem>>) target_semaphore(%arg12 : memref<!tpu.dma_semaphore, #tpu.memory_space<semaphore_mem>>)
    %dma_wait3A_66 = tpu.memref_slice %arg2[%mul3A_2] : memref<4194304xi32, #tpu.memory_space<hbm>> -> memref<16384xi32, #tpu.memory_space<hbm>>
    %dma_wait3A_67 = tpu.memref_slice %arg2[%mul3A_2] : memref<4194304xi32, #tpu.memory_space<hbm>> -> memref<16384xi32, #tpu.memory_space<hbm>>
    tpu.wait_dma2 semaphore(%arg11 : memref<!tpu.dma_semaphore, #tpu.memory_space<semaphore_mem>>) src(%dma_wait3A_67 : memref<16384xi32, #tpu.memory_space<hbm>>) dst(%arg6 : memref<16384xi32, #tpu.memory_space<vmem>>)
    %dma_wait3A_68 = tpu.memref_slice %arg3[%mul3A_2] : memref<4194304xi32, #tpu.memory_space<hbm>> -> memref<16384xi32, #tpu.memory_space<hbm>>
    %dma_wait3A_69 = tpu.memref_slice %arg3[%mul3A_2] : memref<4194304xi32, #tpu.memory_space<hbm>> -> memref<16384xi32, #tpu.memory_space<hbm>>
    tpu.wait_dma2 semaphore(%arg12 : memref<!tpu.dma_semaphore, #tpu.memory_space<semaphore_mem>>) src(%dma_wait3A_69 : memref<16384xi32, #tpu.memory_space<hbm>>) dst(%arg8 : memref<16384xi32, #tpu.memory_space<vmem>>)
    %parallel_loop3A_70 = arith.constant 0 : i32
    %parallel_loop3A_71 = arith.constant 1024 : i32
    %parallel_loop3A_72 = arith.constant 1 : i32
    scf.for %parallel_loop3A_128 = %parallel_loop3A_70 to %parallel_loop3A_71 step %parallel_loop3A_72  : i32 {
      %parallel_loop3A_129 = arith.constant 16 : i32
      %parallel_loop3A_130 = arith.muli %parallel_loop3A_128, %parallel_loop3A_129 : i32
      %parallel_loop3A_131 = arith.index_cast %parallel_loop3A_130 : i32 to index
      %parallel_loop3A_132 = tpu.vector_load %arg6[%parallel_loop3A_131] {strides = array<i32>} : memref<16384xi32, #tpu.memory_space<vmem>>, vector<16xi32>,
      %parallel_loop3A_133 = arith.index_cast %parallel_loop3A_130 : i32 to index
      %parallel_loop3A_134 = tpu.vector_load %arg8[%parallel_loop3A_133] {strides = array<i32>} : memref<16384xi32, #tpu.memory_space<vmem>>, vector<16xi32>,
      %parallel_loop3A_135 = arith.constant 21 : i32
      %parallel_loop3A_136 = vector.broadcast %parallel_loop3A_135 : i32 to vector<16xi32>
      %parallel_loop3A_137 = arith.muli %parallel_loop3A_134, %parallel_loop3A_136 : vector<16xi32>
      %parallel_loop3A_138 = arith.addi %mul3A_5, %parallel_loop3A_137 : vector<16xi32>
      %parallel_loop3A_139 = arith.addi %parallel_loop3A_138, %parallel_loop3A_132 : vector<16xi32>
      tpu.vector_store_idx %arg9[%parallel_loop3A_139], %broadcast_in_dim3A_6 {add = true} : memref<7168xi32, #tpu.memory_space<vmem>>[vector<16xi32>], vector<16xi32>,
    } {sc.loop_unroll_factor = 8 : i64, sc.parallel_access}
    %add3A_73 = arith.constant 81920 : i32
    %add3A_74 = arith.addi %mul3A_2, %add3A_73 : i32
    %dma_start3A_75 = tpu.memref_slice %arg2[%add3A_74] : memref<4194304xi32, #tpu.memory_space<hbm>> -> memref<16384xi32, #tpu.memory_space<hbm>>
    %dma_start3A_76 = tpu.memref_slice %arg2[%add3A_74] : memref<4194304xi32, #tpu.memory_space<hbm>> -> memref<16384xi32, #tpu.memory_space<hbm>>
    tpu.enqueue_dma source(%dma_start3A_76 : memref<16384xi32, #tpu.memory_space<hbm>>) target(%arg6 : memref<16384xi32, #tpu.memory_space<vmem>>) target_semaphore(%arg11 : memref<!tpu.dma_semaphore, #tpu.memory_space<semaphore_mem>>)
    %add3A_77 = arith.constant 81920 : i32
    %add3A_78 = arith.addi %mul3A_2, %add3A_77 : i32
    %dma_start3A_79 = tpu.memref_slice %arg3[%add3A_78] : memref<4194304xi32, #tpu.memory_space<hbm>> -> memref<16384xi32, #tpu.memory_space<hbm>>
    %dma_start3A_80 = tpu.memref_slice %arg3[%add3A_78] : memref<4194304xi32, #tpu.memory_space<hbm>> -> memref<16384xi32, #tpu.memory_space<hbm>>
    tpu.enqueue_dma source(%dma_start3A_80 : memref<16384xi32, #tpu.memory_space<hbm>>) target(%arg8 : memref<16384xi32, #tpu.memory_space<vmem>>) target_semaphore(%arg12 : memref<!tpu.dma_semaphore, #tpu.memory_space<semaphore_mem>>)
    %dma_wait3A_81 = tpu.memref_slice %arg2[%mul3A_2] : memref<4194304xi32, #tpu.memory_space<hbm>> -> memref<16384xi32, #tpu.memory_space<hbm>>
    %dma_wait3A_82 = tpu.memref_slice %arg2[%mul3A_2] : memref<4194304xi32, #tpu.memory_space<hbm>> -> memref<16384xi32, #tpu.memory_space<hbm>>
    tpu.wait_dma2 semaphore(%arg11 : memref<!tpu.dma_semaphore, #tpu.memory_space<semaphore_mem>>) src(%dma_wait3A_82 : memref<16384xi32, #tpu.memory_space<hbm>>) dst(%arg5 : memref<16384xi32, #tpu.memory_space<vmem>>)
    %dma_wait3A_83 = tpu.memref_slice %arg3[%mul3A_2] : memref<4194304xi32, #tpu.memory_space<hbm>> -> memref<16384xi32, #tpu.memory_space<hbm>>
    %dma_wait3A_84 = tpu.memref_slice %arg3[%mul3A_2] : memref<4194304xi32, #tpu.memory_space<hbm>> -> memref<16384xi32, #tpu.memory_space<hbm>>
    tpu.wait_dma2 semaphore(%arg12 : memref<!tpu.dma_semaphore, #tpu.memory_space<semaphore_mem>>) src(%dma_wait3A_84 : memref<16384xi32, #tpu.memory_space<hbm>>) dst(%arg7 : memref<16384xi32, #tpu.memory_space<vmem>>)
    %parallel_loop3A_85 = arith.constant 0 : i32
    %parallel_loop3A_86 = arith.constant 1024 : i32
    %parallel_loop3A_87 = arith.constant 1 : i32
    scf.for %parallel_loop3A_128 = %parallel_loop3A_85 to %parallel_loop3A_86 step %parallel_loop3A_87  : i32 {
      %parallel_loop3A_129 = arith.constant 16 : i32
      %parallel_loop3A_130 = arith.muli %parallel_loop3A_128, %parallel_loop3A_129 : i32
      %parallel_loop3A_131 = arith.index_cast %parallel_loop3A_130 : i32 to index
      %parallel_loop3A_132 = tpu.vector_load %arg5[%parallel_loop3A_131] {strides = array<i32>} : memref<16384xi32, #tpu.memory_space<vmem>>, vector<16xi32>,
      %parallel_loop3A_133 = arith.index_cast %parallel_loop3A_130 : i32 to index
      %parallel_loop3A_134 = tpu.vector_load %arg7[%parallel_loop3A_133] {strides = array<i32>} : memref<16384xi32, #tpu.memory_space<vmem>>, vector<16xi32>,
      %parallel_loop3A_135 = arith.constant 21 : i32
      %parallel_loop3A_136 = vector.broadcast %parallel_loop3A_135 : i32 to vector<16xi32>
      %parallel_loop3A_137 = arith.muli %parallel_loop3A_134, %parallel_loop3A_136 : vector<16xi32>
      %parallel_loop3A_138 = arith.addi %mul3A_5, %parallel_loop3A_137 : vector<16xi32>
      %parallel_loop3A_139 = arith.addi %parallel_loop3A_138, %parallel_loop3A_132 : vector<16xi32>
      tpu.vector_store_idx %arg9[%parallel_loop3A_139], %broadcast_in_dim3A_6 {add = true} : memref<7168xi32, #tpu.memory_space<vmem>>[vector<16xi32>], vector<16xi32>,
    } {sc.loop_unroll_factor = 8 : i64, sc.parallel_access}
    %add3A_88 = arith.constant 98304 : i32
    %add3A_89 = arith.addi %mul3A_2, %add3A_88 : i32
    %dma_start3A_90 = tpu.memref_slice %arg2[%add3A_89] : memref<4194304xi32, #tpu.memory_space<hbm>> -> memref<16384xi32, #tpu.memory_space<hbm>>
    %dma_start3A_91 = tpu.memref_slice %arg2[%add3A_89] : memref<4194304xi32, #tpu.memory_space<hbm>> -> memref<16384xi32, #tpu.memory_space<hbm>>
    tpu.enqueue_dma source(%dma_start3A_91 : memref<16384xi32, #tpu.memory_space<hbm>>) target(%arg5 : memref<16384xi32, #tpu.memory_space<vmem>>) target_semaphore(%arg11 : memref<!tpu.dma_semaphore, #tpu.memory_space<semaphore_mem>>)
    %add3A_92 = arith.constant 98304 : i32
    %add3A_93 = arith.addi %mul3A_2, %add3A_92 : i32
    %dma_start3A_94 = tpu.memref_slice %arg3[%add3A_93] : memref<4194304xi32, #tpu.memory_space<hbm>> -> memref<16384xi32, #tpu.memory_space<hbm>>
    %dma_start3A_95 = tpu.memref_slice %arg3[%add3A_93] : memref<4194304xi32, #tpu.memory_space<hbm>> -> memref<16384xi32, #tpu.memory_space<hbm>>
    tpu.enqueue_dma source(%dma_start3A_95 : memref<16384xi32, #tpu.memory_space<hbm>>) target(%arg7 : memref<16384xi32, #tpu.memory_space<vmem>>) target_semaphore(%arg12 : memref<!tpu.dma_semaphore, #tpu.memory_space<semaphore_mem>>)
    %dma_wait3A_96 = tpu.memref_slice %arg2[%mul3A_2] : memref<4194304xi32, #tpu.memory_space<hbm>> -> memref<16384xi32, #tpu.memory_space<hbm>>
    %dma_wait3A_97 = tpu.memref_slice %arg2[%mul3A_2] : memref<4194304xi32, #tpu.memory_space<hbm>> -> memref<16384xi32, #tpu.memory_space<hbm>>
    tpu.wait_dma2 semaphore(%arg11 : memref<!tpu.dma_semaphore, #tpu.memory_space<semaphore_mem>>) src(%dma_wait3A_97 : memref<16384xi32, #tpu.memory_space<hbm>>) dst(%arg6 : memref<16384xi32, #tpu.memory_space<vmem>>)
    %dma_wait3A_98 = tpu.memref_slice %arg3[%mul3A_2] : memref<4194304xi32, #tpu.memory_space<hbm>> -> memref<16384xi32, #tpu.memory_space<hbm>>
    %dma_wait3A_99 = tpu.memref_slice %arg3[%mul3A_2] : memref<4194304xi32, #tpu.memory_space<hbm>> -> memref<16384xi32, #tpu.memory_space<hbm>>
    tpu.wait_dma2 semaphore(%arg12 : memref<!tpu.dma_semaphore, #tpu.memory_space<semaphore_mem>>) src(%dma_wait3A_99 : memref<16384xi32, #tpu.memory_space<hbm>>) dst(%arg8 : memref<16384xi32, #tpu.memory_space<vmem>>)
    %parallel_loop3A_100 = arith.constant 0 : i32
    %parallel_loop3A_101 = arith.constant 1024 : i32
    %parallel_loop3A_102 = arith.constant 1 : i32
    scf.for %parallel_loop3A_128 = %parallel_loop3A_100 to %parallel_loop3A_101 step %parallel_loop3A_102  : i32 {
      %parallel_loop3A_129 = arith.constant 16 : i32
      %parallel_loop3A_130 = arith.muli %parallel_loop3A_128, %parallel_loop3A_129 : i32
      %parallel_loop3A_131 = arith.index_cast %parallel_loop3A_130 : i32 to index
      %parallel_loop3A_132 = tpu.vector_load %arg6[%parallel_loop3A_131] {strides = array<i32>} : memref<16384xi32, #tpu.memory_space<vmem>>, vector<16xi32>,
      %parallel_loop3A_133 = arith.index_cast %parallel_loop3A_130 : i32 to index
      %parallel_loop3A_134 = tpu.vector_load %arg8[%parallel_loop3A_133] {strides = array<i32>} : memref<16384xi32, #tpu.memory_space<vmem>>, vector<16xi32>,
      %parallel_loop3A_135 = arith.constant 21 : i32
      %parallel_loop3A_136 = vector.broadcast %parallel_loop3A_135 : i32 to vector<16xi32>
      %parallel_loop3A_137 = arith.muli %parallel_loop3A_134, %parallel_loop3A_136 : vector<16xi32>
      %parallel_loop3A_138 = arith.addi %mul3A_5, %parallel_loop3A_137 : vector<16xi32>
      %parallel_loop3A_139 = arith.addi %parallel_loop3A_138, %parallel_loop3A_132 : vector<16xi32>
      tpu.vector_store_idx %arg9[%parallel_loop3A_139], %broadcast_in_dim3A_6 {add = true} : memref<7168xi32, #tpu.memory_space<vmem>>[vector<16xi32>], vector<16xi32>,
    } {sc.loop_unroll_factor = 8 : i64, sc.parallel_access}
    %add3A_103 = arith.constant 114688 : i32
    %add3A_104 = arith.addi %mul3A_2, %add3A_103 : i32
    %dma_start3A_105 = tpu.memref_slice %arg2[%add3A_104] : memref<4194304xi32, #tpu.memory_space<hbm>> -> memref<16384xi32, #tpu.memory_space<hbm>>
    %dma_start3A_106 = tpu.memref_slice %arg2[%add3A_104] : memref<4194304xi32, #tpu.memory_space<hbm>> -> memref<16384xi32, #tpu.memory_space<hbm>>
    tpu.enqueue_dma source(%dma_start3A_106 : memref<16384xi32, #tpu.memory_space<hbm>>) target(%arg6 : memref<16384xi32, #tpu.memory_space<vmem>>) target_semaphore(%arg11 : memref<!tpu.dma_semaphore, #tpu.memory_space<semaphore_mem>>)
    %add3A_107 = arith.constant 114688 : i32
    %add3A_108 = arith.addi %mul3A_2, %add3A_107 : i32
    %dma_start3A_109 = tpu.memref_slice %arg3[%add3A_108] : memref<4194304xi32, #tpu.memory_space<hbm>> -> memref<16384xi32, #tpu.memory_space<hbm>>
    %dma_start3A_110 = tpu.memref_slice %arg3[%add3A_108] : memref<4194304xi32, #tpu.memory_space<hbm>> -> memref<16384xi32, #tpu.memory_space<hbm>>
    tpu.enqueue_dma source(%dma_start3A_110 : memref<16384xi32, #tpu.memory_space<hbm>>) target(%arg8 : memref<16384xi32, #tpu.memory_space<vmem>>) target_semaphore(%arg12 : memref<!tpu.dma_semaphore, #tpu.memory_space<semaphore_mem>>)
    %dma_wait3A_111 = tpu.memref_slice %arg2[%mul3A_2] : memref<4194304xi32, #tpu.memory_space<hbm>> -> memref<16384xi32, #tpu.memory_space<hbm>>
    %dma_wait3A_112 = tpu.memref_slice %arg2[%mul3A_2] : memref<4194304xi32, #tpu.memory_space<hbm>> -> memref<16384xi32, #tpu.memory_space<hbm>>
    tpu.wait_dma2 semaphore(%arg11 : memref<!tpu.dma_semaphore, #tpu.memory_space<semaphore_mem>>) src(%dma_wait3A_112 : memref<16384xi32, #tpu.memory_space<hbm>>) dst(%arg5 : memref<16384xi32, #tpu.memory_space<vmem>>)
    %dma_wait3A_113 = tpu.memref_slice %arg3[%mul3A_2] : memref<4194304xi32, #tpu.memory_space<hbm>> -> memref<16384xi32, #tpu.memory_space<hbm>>
    %dma_wait3A_114 = tpu.memref_slice %arg3[%mul3A_2] : memref<4194304xi32, #tpu.memory_space<hbm>> -> memref<16384xi32, #tpu.memory_space<hbm>>
    tpu.wait_dma2 semaphore(%arg12 : memref<!tpu.dma_semaphore, #tpu.memory_space<semaphore_mem>>) src(%dma_wait3A_114 : memref<16384xi32, #tpu.memory_space<hbm>>) dst(%arg7 : memref<16384xi32, #tpu.memory_space<vmem>>)
    %parallel_loop3A_115 = arith.constant 0 : i32
    %parallel_loop3A_116 = arith.constant 1024 : i32
    %parallel_loop3A_117 = arith.constant 1 : i32
    scf.for %parallel_loop3A_128 = %parallel_loop3A_115 to %parallel_loop3A_116 step %parallel_loop3A_117  : i32 {
      %parallel_loop3A_129 = arith.constant 16 : i32
      %parallel_loop3A_130 = arith.muli %parallel_loop3A_128, %parallel_loop3A_129 : i32
      %parallel_loop3A_131 = arith.index_cast %parallel_loop3A_130 : i32 to index
      %parallel_loop3A_132 = tpu.vector_load %arg5[%parallel_loop3A_131] {strides = array<i32>} : memref<16384xi32, #tpu.memory_space<vmem>>, vector<16xi32>,
      %parallel_loop3A_133 = arith.index_cast %parallel_loop3A_130 : i32 to index
      %parallel_loop3A_134 = tpu.vector_load %arg7[%parallel_loop3A_133] {strides = array<i32>} : memref<16384xi32, #tpu.memory_space<vmem>>, vector<16xi32>,
      %parallel_loop3A_135 = arith.constant 21 : i32
      %parallel_loop3A_136 = vector.broadcast %parallel_loop3A_135 : i32 to vector<16xi32>
      %parallel_loop3A_137 = arith.muli %parallel_loop3A_134, %parallel_loop3A_136 : vector<16xi32>
      %parallel_loop3A_138 = arith.addi %mul3A_5, %parallel_loop3A_137 : vector<16xi32>
      %parallel_loop3A_139 = arith.addi %parallel_loop3A_138, %parallel_loop3A_132 : vector<16xi32>
      tpu.vector_store_idx %arg9[%parallel_loop3A_139], %broadcast_in_dim3A_6 {add = true} : memref<7168xi32, #tpu.memory_space<vmem>>[vector<16xi32>], vector<16xi32>,
    } {sc.loop_unroll_factor = 8 : i64, sc.parallel_access}
    %dma_wait3A_118 = tpu.memref_slice %arg2[%mul3A_2] : memref<4194304xi32, #tpu.memory_space<hbm>> -> memref<16384xi32, #tpu.memory_space<hbm>>
    %dma_wait3A_119 = tpu.memref_slice %arg2[%mul3A_2] : memref<4194304xi32, #tpu.memory_space<hbm>> -> memref<16384xi32, #tpu.memory_space<hbm>>
    tpu.wait_dma2 semaphore(%arg11 : memref<!tpu.dma_semaphore, #tpu.memory_space<semaphore_mem>>) src(%dma_wait3A_119 : memref<16384xi32, #tpu.memory_space<hbm>>) dst(%arg6 : memref<16384xi32, #tpu.memory_space<vmem>>)
    %dma_wait3A_120 = tpu.memref_slice %arg3[%mul3A_2] : memref<4194304xi32, #tpu.memory_space<hbm>> -> memref<16384xi32, #tpu.memory_space<hbm>>
    %dma_wait3A_121 = tpu.memref_slice %arg3[%mul3A_2] : memref<4194304xi32, #tpu.memory_space<hbm>> -> memref<16384xi32, #tpu.memory_space<hbm>>
    tpu.wait_dma2 semaphore(%arg12 : memref<!tpu.dma_semaphore, #tpu.memory_space<semaphore_mem>>) src(%dma_wait3A_121 : memref<16384xi32, #tpu.memory_space<hbm>>) dst(%arg8 : memref<16384xi32, #tpu.memory_space<vmem>>)
    %parallel_loop3A_122 = arith.constant 0 : i32
    %parallel_loop3A_123 = arith.constant 1024 : i32
    %parallel_loop3A_124 = arith.constant 1 : i32
    scf.for %parallel_loop3A_128 = %parallel_loop3A_122 to %parallel_loop3A_123 step %parallel_loop3A_124  : i32 {
      %parallel_loop3A_129 = arith.constant 16 : i32
      %parallel_loop3A_130 = arith.muli %parallel_loop3A_128, %parallel_loop3A_129 : i32
      %parallel_loop3A_131 = arith.index_cast %parallel_loop3A_130 : i32 to index
      %parallel_loop3A_132 = tpu.vector_load %arg6[%parallel_loop3A_131] {strides = array<i32>} : memref<16384xi32, #tpu.memory_space<vmem>>, vector<16xi32>,
      %parallel_loop3A_133 = arith.index_cast %parallel_loop3A_130 : i32 to index
      %parallel_loop3A_134 = tpu.vector_load %arg8[%parallel_loop3A_133] {strides = array<i32>} : memref<16384xi32, #tpu.memory_space<vmem>>, vector<16xi32>,
      %parallel_loop3A_135 = arith.constant 21 : i32
      %parallel_loop3A_136 = vector.broadcast %parallel_loop3A_135 : i32 to vector<16xi32>
      %parallel_loop3A_137 = arith.muli %parallel_loop3A_134, %parallel_loop3A_136 : vector<16xi32>
      %parallel_loop3A_138 = arith.addi %mul3A_5, %parallel_loop3A_137 : vector<16xi32>
      %parallel_loop3A_139 = arith.addi %parallel_loop3A_138, %parallel_loop3A_132 : vector<16xi32>
      tpu.vector_store_idx %arg9[%parallel_loop3A_139], %broadcast_in_dim3A_6 {add = true} : memref<7168xi32, #tpu.memory_space<vmem>>[vector<16xi32>], vector<16xi32>,
    } {sc.loop_unroll_factor = 8 : i64, sc.parallel_access}
    %parallel_loop3A_125 = arith.constant 0 : i32
    %parallel_loop3A_126 = arith.constant 28 : i32
    %parallel_loop3A_127 = arith.constant 1 : i32
    scf.for %parallel_loop3A_128 = %parallel_loop3A_125 to %parallel_loop3A_126 step %parallel_loop3A_127  : i32 {
      %parallel_loop3A_129 = arith.constant 16 : i32
      %parallel_loop3A_130 = arith.muli %parallel_loop3A_128, %parallel_loop3A_129 : i32
      %parallel_loop3A_131 = arith.index_cast %parallel_loop3A_130 : i32 to index
      %parallel_loop3A_132 = tpu.vector_load %arg9[%parallel_loop3A_131] {strides = array<i32>} : memref<7168xi32, #tpu.memory_space<vmem>>, vector<16xi32>,
      %parallel_loop3A_133 = arith.constant 448 : i32
      %parallel_loop3A_134 = arith.addi %parallel_loop3A_133, %parallel_loop3A_130 : i32
      %parallel_loop3A_135 = arith.index_cast %parallel_loop3A_134 : i32 to index
      %parallel_loop3A_136 = tpu.vector_load %arg9[%parallel_loop3A_135] {strides = array<i32>} : memref<7168xi32, #tpu.memory_space<vmem>>, vector<16xi32>,
      %parallel_loop3A_137 = arith.addi %parallel_loop3A_132, %parallel_loop3A_136 : vector<16xi32>
      %parallel_loop3A_138 = arith.constant 896 : i32
      %parallel_loop3A_139 = arith.addi %parallel_loop3A_138, %parallel_loop3A_130 : i32
      %parallel_loop3A_140 = arith.index_cast %parallel_loop3A_139 : i32 to index
      %parallel_loop3A_141 = tpu.vector_load %arg9[%parallel_loop3A_140] {strides = array<i32>} : memref<7168xi32, #tpu.memory_space<vmem>>, vector<16xi32>,
      %parallel_loop3A_142 = arith.addi %parallel_loop3A_137, %parallel_loop3A_141 : vector<16xi32>
      %parallel_loop3A_143 = arith.constant 1344 : i32
      %parallel_loop3A_144 = arith.addi %parallel_loop3A_143, %parallel_loop3A_130 : i32
      %parallel_loop3A_145 = arith.index_cast %parallel_loop3A_144 : i32 to index
      %parallel_loop3A_146 = tpu.vector_load %arg9[%parallel_loop3A_145] {strides = array<i32>} : memref<7168xi32, #tpu.memory_space<vmem>>, vector<16xi32>,
      %parallel_loop3A_147 = arith.addi %parallel_loop3A_142, %parallel_loop3A_146 : vector<16xi32>
      %parallel_loop3A_148 = arith.constant 1792 : i32
      %parallel_loop3A_149 = arith.addi %parallel_loop3A_148, %parallel_loop3A_130 : i32
      %parallel_loop3A_150 = arith.index_cast %parallel_loop3A_149 : i32 to index
      %parallel_loop3A_151 = tpu.vector_load %arg9[%parallel_loop3A_150] {strides = array<i32>} : memref<7168xi32, #tpu.memory_space<vmem>>, vector<16xi32>,
      %parallel_loop3A_152 = arith.addi %parallel_loop3A_147, %parallel_loop3A_151 : vector<16xi32>
      %parallel_loop3A_153 = arith.constant 2240 : i32
      %parallel_loop3A_154 = arith.addi %parallel_loop3A_153, %parallel_loop3A_130 : i32
      %parallel_loop3A_155 = arith.index_cast %parallel_loop3A_154 : i32 to index
      %parallel_loop3A_156 = tpu.vector_load %arg9[%parallel_loop3A_155] {strides = array<i32>} : memref<7168xi32, #tpu.memory_space<vmem>>, vector<16xi32>,
      %parallel_loop3A_157 = arith.addi %parallel_loop3A_152, %parallel_loop3A_156 : vector<16xi32>
      %parallel_loop3A_158 = arith.constant 2688 : i32
      %parallel_loop3A_159 = arith.addi %parallel_loop3A_158, %parallel_loop3A_130 : i32
      %parallel_loop3A_160 = arith.index_cast %parallel_loop3A_159 : i32 to index
      %parallel_loop3A_161 = tpu.vector_load %arg9[%parallel_loop3A_160] {strides = array<i32>} : memref<7168xi32, #tpu.memory_space<vmem>>, vector<16xi32>,
      %parallel_loop3A_162 = arith.addi %parallel_loop3A_157, %parallel_loop3A_161 : vector<16xi32>
      %parallel_loop3A_163 = arith.constant 3136 : i32
      %parallel_loop3A_164 = arith.addi %parallel_loop3A_163, %parallel_loop3A_130 : i32
      %parallel_loop3A_165 = arith.index_cast %parallel_loop3A_164 : i32 to index
      %parallel_loop3A_166 = tpu.vector_load %arg9[%parallel_loop3A_165] {strides = array<i32>} : memref<7168xi32, #tpu.memory_space<vmem>>, vector<16xi32>,
      %parallel_loop3A_167 = arith.addi %parallel_loop3A_162, %parallel_loop3A_166 : vector<16xi32>
      %parallel_loop3A_168 = arith.constant 3584 : i32
      %parallel_loop3A_169 = arith.addi %parallel_loop3A_168, %parallel_loop3A_130 : i32
      %parallel_loop3A_170 = arith.index_cast %parallel_loop3A_169 : i32 to index
      %parallel_loop3A_171 = tpu.vector_load %arg9[%parallel_loop3A_170] {strides = array<i32>} : memref<7168xi32, #tpu.memory_space<vmem>>, vector<16xi32>,
      %parallel_loop3A_172 = arith.addi %parallel_loop3A_167, %parallel_loop3A_171 : vector<16xi32>
      %parallel_loop3A_173 = arith.constant 4032 : i32
      %parallel_loop3A_174 = arith.addi %parallel_loop3A_173, %parallel_loop3A_130 : i32
      %parallel_loop3A_175 = arith.index_cast %parallel_loop3A_174 : i32 to index
      %parallel_loop3A_176 = tpu.vector_load %arg9[%parallel_loop3A_175] {strides = array<i32>} : memref<7168xi32, #tpu.memory_space<vmem>>, vector<16xi32>,
      %parallel_loop3A_177 = arith.addi %parallel_loop3A_172, %parallel_loop3A_176 : vector<16xi32>
      %parallel_loop3A_178 = arith.constant 4480 : i32
      %parallel_loop3A_179 = arith.addi %parallel_loop3A_178, %parallel_loop3A_130 : i32
      %parallel_loop3A_180 = arith.index_cast %parallel_loop3A_179 : i32 to index
      %parallel_loop3A_181 = tpu.vector_load %arg9[%parallel_loop3A_180] {strides = array<i32>} : memref<7168xi32, #tpu.memory_space<vmem>>, vector<16xi32>,
      %parallel_loop3A_182 = arith.addi %parallel_loop3A_177, %parallel_loop3A_181 : vector<16xi32>
      %parallel_loop3A_183 = arith.constant 4928 : i32
      %parallel_loop3A_184 = arith.addi %parallel_loop3A_183, %parallel_loop3A_130 : i32
      %parallel_loop3A_185 = arith.index_cast %parallel_loop3A_184 : i32 to index
      %parallel_loop3A_186 = tpu.vector_load %arg9[%parallel_loop3A_185] {strides = array<i32>} : memref<7168xi32, #tpu.memory_space<vmem>>, vector<16xi32>,
      %parallel_loop3A_187 = arith.addi %parallel_loop3A_182, %parallel_loop3A_186 : vector<16xi32>
      %parallel_loop3A_188 = arith.constant 5376 : i32
      %parallel_loop3A_189 = arith.addi %parallel_loop3A_188, %parallel_loop3A_130 : i32
      %parallel_loop3A_190 = arith.index_cast %parallel_loop3A_189 : i32 to index
      %parallel_loop3A_191 = tpu.vector_load %arg9[%parallel_loop3A_190] {strides = array<i32>} : memref<7168xi32, #tpu.memory_space<vmem>>, vector<16xi32>,
      %parallel_loop3A_192 = arith.addi %parallel_loop3A_187, %parallel_loop3A_191 : vector<16xi32>
      %parallel_loop3A_193 = arith.constant 5824 : i32
      %parallel_loop3A_194 = arith.addi %parallel_loop3A_193, %parallel_loop3A_130 : i32
      %parallel_loop3A_195 = arith.index_cast %parallel_loop3A_194 : i32 to index
      %parallel_loop3A_196 = tpu.vector_load %arg9[%parallel_loop3A_195] {strides = array<i32>} : memref<7168xi32, #tpu.memory_space<vmem>>, vector<16xi32>,
      %parallel_loop3A_197 = arith.addi %parallel_loop3A_192, %parallel_loop3A_196 : vector<16xi32>
      %parallel_loop3A_198 = arith.constant 6272 : i32
      %parallel_loop3A_199 = arith.addi %parallel_loop3A_198, %parallel_loop3A_130 : i32
      %parallel_loop3A_200 = arith.index_cast %parallel_loop3A_199 : i32 to index
      %parallel_loop3A_201 = tpu.vector_load %arg9[%parallel_loop3A_200] {strides = array<i32>} : memref<7168xi32, #tpu.memory_space<vmem>>, vector<16xi32>,
      %parallel_loop3A_202 = arith.addi %parallel_loop3A_197, %parallel_loop3A_201 : vector<16xi32>
      %parallel_loop3A_203 = arith.constant 6720 : i32
      %parallel_loop3A_204 = arith.addi %parallel_loop3A_203, %parallel_loop3A_130 : i32
      %parallel_loop3A_205 = arith.index_cast %parallel_loop3A_204 : i32 to index
      %parallel_loop3A_206 = tpu.vector_load %arg9[%parallel_loop3A_205] {strides = array<i32>} : memref<7168xi32, #tpu.memory_space<vmem>>, vector<16xi32>,
      %parallel_loop3A_207 = arith.addi %parallel_loop3A_202, %parallel_loop3A_206 : vector<16xi32>
      %parallel_loop3A_208 = arith.index_cast %parallel_loop3A_130 : i32 to index
      %parallel_loop3A_209 = tpu.vector_load %arg10[%parallel_loop3A_208] {strides = array<i32>} : memref<448xi32, #tpu.memory_space<vmem>>, vector<16xi32>,
      tpu.vector_store %arg10[%parallel_loop3A_208], %parallel_loop3A_207 {strides = array<i32>} : memref<448xi32, #tpu.memory_space<vmem>>, vector<16xi32>,
    } {sc.loop_unroll_factor = 1 : i64, sc.parallel_access}
    "tpu.region"() ({
      %run_scoped3A = tpu.sem_alloc : memref<!tpu.dma_semaphore, #tpu.memory_space<semaphore_mem>>
      %dma_start3A_128 = arith.constant 0 : i32
      %dma_start3A_129 = tpu.memref_slice %arg4[%add3A, %dma_start3A_128] : memref<32x448xi32, #tpu.memory_space<hbm>> -> memref<1x448xi32, #tpu.memory_space<hbm>>
      %dma_start3A_130 = tpu.memref_squeeze %dma_start3A_129 : memref<1x448xi32, #tpu.memory_space<hbm>> -> memref<448xi32, #tpu.memory_space<hbm>>
      %dma_start3A_131 = arith.constant 0 : i32
      %dma_start3A_132 = tpu.memref_slice %arg4[%add3A, %dma_start3A_131] : memref<32x448xi32, #tpu.memory_space<hbm>> -> memref<1x448xi32, #tpu.memory_space<hbm>>
      %dma_start3A_133 = tpu.memref_squeeze %dma_start3A_132 : memref<1x448xi32, #tpu.memory_space<hbm>> -> memref<448xi32, #tpu.memory_space<hbm>>
      tpu.enqueue_dma source(%arg10 : memref<448xi32, #tpu.memory_space<vmem>>) target(%dma_start3A_133 : memref<448xi32, #tpu.memory_space<hbm>>) target_semaphore(%run_scoped3A : memref<!tpu.dma_semaphore, #tpu.memory_space<semaphore_mem>>)
      %dma_wait3A_134 = arith.constant 0 : i32
      %dma_wait3A_135 = tpu.memref_slice %arg4[%add3A, %dma_wait3A_134] : memref<32x448xi32, #tpu.memory_space<hbm>> -> memref<1x448xi32, #tpu.memory_space<hbm>>
      %dma_wait3A_136 = tpu.memref_squeeze %dma_wait3A_135 : memref<1x448xi32, #tpu.memory_space<hbm>> -> memref<448xi32, #tpu.memory_space<hbm>>
      %dma_wait3A_137 = arith.constant 0 : i32
      %dma_wait3A_138 = tpu.memref_slice %arg4[%add3A, %dma_wait3A_137] : memref<32x448xi32, #tpu.memory_space<hbm>> -> memref<1x448xi32, #tpu.memory_space<hbm>>
      %dma_wait3A_139 = tpu.memref_squeeze %dma_wait3A_138 : memref<1x448xi32, #tpu.memory_space<hbm>> -> memref<448xi32, #tpu.memory_space<hbm>>
      tpu.wait_dma2 semaphore(%run_scoped3A : memref<!tpu.dma_semaphore, #tpu.memory_space<semaphore_mem>>) src(%arg10 : memref<448xi32, #tpu.memory_space<vmem>>) dst(%dma_wait3A_139 : memref<448xi32, #tpu.memory_space<hbm>>)
      tpu.yield
    }) : () -> ()
    return
  }
}

</mosaic_0001>

<sc_bundles>
// kernel: _run.3.cloned.1.call-start
scs
__scs_entry_jumppad:
0x0: {  	(pc) =	sbr.rel $0x88, $3  }
0x1: {  	(tag) =	ssettag $0x0;
	lr =	simm.s32 $0x1  }
0x2: {  	[smem:$0x3F9F] =	sst lr;
	_ =	strace $0xD0000000  }
0x3: {  	_ = 	snop  }
0x4: {  	_ = 	snop  }
0x5: {  	_ = 	snop  }
0x6: {  	_ = 	snop  }
0x7: {  	_ = 	snop  }
__scs_overlays_trampoline_lowered:
0x8: {  	[smem:$0x3FAE] =	sst s0  }
0x9: {  	[smem:$0x3FAF] =	sst s1  }
0xa: {  	[smem:$0x3FB0] =	sst s2  }
0xb: {  	[smem:$0x3FB1] =	sst s3  }
0xc: {  	[smem:$0x3FB2] =	sst s4  }
0xd: {  	[smem:$0x3FB3] =	sst s5  }
0xe: {  	[smem:$0x3FB4] =	sst s6  }
0xf: {  	[smem:$0x3FB5] =	sst s7  }
0x10: {  	[smem:$0x3FB6] =	sst s8  }
0x11: {  	[smem:$0x3FB7] =	sst s9;
	s0 =	simm.s32 @!p0 $0x0  }
0x12: {  	s1 =	sld [smem:$0x3F9D];
	s0 =	simm.s32 @p0 $0x1  }
0x13: {  	[smem:$0x3FB8] =	sst s0;
	s0 =	simm.s32 @!p1 $0x0  }
0x14: {  	s2 =	sld [smem:$0x3F9C];
	s0 =	simm.s32 @p1 $0x1  }
0x15: {  	[smem:$0x3FB9] =	sst s0;
	s0 =	simm.s32 @!p2 $0x0  }
0x16: {  	s3 =	sld [smem:$0x3FDB];
	s0 =	simm.s32 @p2 $0x1  }
0x17: {  	s4 =	simm.s32 $0x1BF5;
	[smem:$0x3FBB] =	sst s0  }
0x18: {  	s0 =	sld [smem:$0x3F9E];
	_ =	swait.ge [sflag:s4], $0x0  }
0x19: {  	s7 =	sld [smem:$0x3F9F]  }
0x1a: {  	s8 =	sadd.s32 $0xFFFFE003, lr  }
0x1b: {  	s9 =	sadd.s32 $0xFFFFFEF7, lr;
	s5 =	simm.s32 $0xFFFFFFFF;
	p2 =	slt.u32 s8, $0xFFFFF086  }
0x1c: {  	p1 =	slt.u32 s9, $0xF7A;
	s5 =	simm.s32 @!p2 $0x0  }
0x1d: {  	s5 =	simm.s32 @p1 $0x1;
	p0 =	seq.s32 s7, s2  }
0x1e: {  	s7 =	smul.u32 @!p0 $0xF7A, s2;
	p2 =	seq.s32 @!p0 s5, $0x0  }
0x1f: {  	s9 =	smul.u32 $0xF7A, s1;
	s8 =	simm.s32 @!p0 $0x1BF5;
	p2 =	por !p2, p0  }
0x20: {  	[sflag:s8] =	ssyncset.s32 @!p0 $0xFFFFF086;
	s6 =	sadd.s32 @!p0 s3, s7;
	s7 =	simm.s32 @!p0 $0x108  }
0x21: {  	s3 =	sadd.s32 s3, s9;
	s6 =	sadd.s32 @!p0 $0x88, s6;
	s7 =	simm.s32 @p2 $0x1082  }
0x22: {  	[simem:s7], [sflag:s8] =	dma.local @!p0 [hbm:s6], $0xF7A  }
0x23: {  	s9 =	sor.u32 $0xD0000000, s2;
	s6 =	simm.s32 $0x108;
	_ =	swait.ge @!p0 [sflag:s8], $0x0  }
0x24: {  	s3 =	sadd.s32 $0x88, s3;
	s6 =	simm.s32 @!p1 $0x1082;
	[sflag:s4] =	ssyncset.s32 $0xFFFFF086  }
0x25: {  	[simem:s6], [sflag:s4] =	dma.local [hbm:s3], $0xF7A  }
0x26: {  	[smem:$0x3F9F] =	sst s1;
	(tag) =	ssettag s2;
	_ =	strace s9  }
0x27: {  	s1 =	sld [smem:$0x3FAF]  }
0x28: {  	s2 =	sld [smem:$0x3FB0]  }
0x29: {  	s4 =	sld [smem:$0x3FB2]  }
0x2a: {  	p0 =	seq.s32 s5, $0x0;
	s5 =	sld [smem:$0x3FB3]  }
0x2b: {  	s6 =	sld [smem:$0x3FB4]  }
0x2c: {  	s7 =	sld [smem:$0x3FB5]  }
0x2d: {  	s3 =	simm.s32 $0x108;
	s8 =	sld [smem:$0x3FB6]  }
0x2e: {  	s3 =	simm.s32 @!p0 $0x1082;
	s9 =	sld [smem:$0x3FB7]  }
0x2f: {  	lr =	sadd.s32 s0, s3;
	s0 =	sld [smem:$0x3FAE]  }
0x30: {  	s3 =	sld [smem:$0x3FB1]  }
0x31: {  	[smem:$0x3FBA] =	sst s10  }
0x32: {  	s10 =	sld [smem:$0x3FB8];
	_ =	sdelay $0x3  }
0x33: {  	p0 =	seq.s32 s10, $0x1;
	s10 =	sld [smem:$0x3FBA];
	_ =	sdelay $0x3  }
0x34: {  	[smem:$0x3FBA] =	sst s10  }
0x35: {  	s10 =	sld [smem:$0x3FB9];
	_ =	sdelay $0x3  }
0x36: {  	p1 =	seq.s32 s10, $0x1;
	s10 =	sld [smem:$0x3FBA];
	_ =	sdelay $0x3  }
0x37: {  	[smem:$0x3FBA] =	sst s10  }
0x38: {  	s10 =	sld [smem:$0x3FBB]  }
0x39: {  	_ = 	snop;
	(pc) =	sbr.ind lr, $3  }
0x3a: {  	_ = 	snop  }
0x3b: {  	_ = 	snop  }
0x3c: {  	p2 =	seq.s32 s10, $0x1;
	s10 =	sld [smem:$0x3FBA]  }
0x3d: {  	_ =	shalt  }
0x3e: {  	_ =	shalt  }
0x3f: {  	_ =	shalt  }
0x40: {  	_ =	shalt  }
0x41: {  	_ =	shalt  }
0x42: {  	_ =	shalt  }
0x43: {  	_ =	shalt  }
0x44: {  	_ =	shalt  }
0x45: {  	_ =	shalt  }
0x46: {  	_ =	shalt  }
0x47: {  	_ =	shalt  }
0x48: {  	_ =	shalt  }
0x49: {  	_ =	shalt  }
0x4a: {  	_ =	shalt  }
0x4b: {  	_ =	shalt  }
0x4c: {  	_ =	shalt  }
0x4d: {  	_ =	shalt  }
0x4e: {  	_ =	shalt  }
0x4f: {  	_ =	shalt  }
0x50: {  	_ =	shalt  }
0x51: {  	_ =	shalt  }
0x52: {  	_ =	shalt  }
0x53: {  	_ =	shalt  }
0x54: {  	_ =	shalt  }
0x55: {  	_ =	shalt  }
0x56: {  	_ =	shalt  }
0x57: {  	_ =	shalt  }
0x58: {  	_ =	shalt  }
0x59: {  	_ =	shalt  }
0x5a: {  	_ =	shalt  }
0x5b: {  	_ =	shalt  }
0x5c: {  	_ =	shalt  }
0x5d: {  	_ =	shalt  }
0x5e: {  	_ =	shalt  }
0x5f: {  	_ =	shalt  }
0x60: {  	_ =	shalt  }
0x61: {  	_ =	shalt  }
0x62: {  	_ =	shalt  }
0x63: {  	_ =	shalt  }
0x64: {  	_ =	shalt  }
0x65: {  	_ =	shalt  }
0x66: {  	_ =	shalt  }
0x67: {  	_ =	shalt  }
0x68: {  	_ =	shalt  }
0x69: {  	_ =	shalt  }
0x6a: {  	_ =	shalt  }
0x6b: {  	_ =	shalt  }
0x6c: {  	_ =	shalt  }
0x6d: {  	_ =	shalt  }
0x6e: {  	_ =	shalt  }
0x6f: {  	_ =	shalt  }
0x70: {  	_ =	shalt  }
0x71: {  	_ =	shalt  }
0x72: {  	_ =	shalt  }
0x73: {  	_ =	shalt  }
0x74: {  	_ =	shalt  }
0x75: {  	_ =	shalt  }
0x76: {  	_ =	shalt  }
0x77: {  	_ =	shalt  }
0x78: {  	_ =	shalt  }
0x79: {  	_ =	shalt  }
0x7a: {  	_ =	shalt  }
0x7b: {  	_ =	shalt  }
0x7c: {  	_ =	shalt  }
0x7d: {  	_ =	shalt  }
0x7e: {  	_ =	shalt  }
0x7f: {  	_ =	shalt  }
0x80: {  	_ =	shalt  }
0x81: {  	_ =	shalt  }
0x82: {  	_ =	shalt  }
0x83: {  	_ =	shalt  }
0x84: {  	_ =	shalt  }
0x85: {  	_ =	shalt  }
0x86: {  	_ =	shalt  }
0x87: {  	_ =	shalt  }
.Lfunc_end0:
.L_simem_size_0:
called_computation_lowered:
.L_overlay_start_0:
0x88: {  	s2 =	sld [smem:$0x3FD9]  }
0x89: {  	s3 =	sld [smem:$0x3FFE];
	_ =	sdelay $0x1  }
0x8a: {  	s1 =	srdreg.scid  }
0x8b: {  	s0 =	sand.u32 $0x1, s1  }
0x8c: {  	s17 =	sshll.u32 s0, $0xA;
	s2 =	sadd.s32 s3, s2  }
0x8d: {  	s2 =	sadd.s32 s2, s17  }
0x8e: {  	[smem:$0x3FC6] =	sst s2  }
0x8f: {  	_ = 	snop  }
0x90: {  	s2 =	sld [smem:$0x3FC9]  }
0x91: {  	s18 =	sld [smem:$0x3FC8];
	(tm) =	ssettm $0x1  }
0x92: {  	s4 =	sld [smem:$0x3FFB];
	_ =	sdelay $0x3  }
0x93: {  	_ =	strace s4  }
0x94: {  	s4 =	sld [smem:$0x3FFC];
	_ =	sdelay $0x3  }
0x95: {  	_ =	strace s4  }
0x96: {  	s4 =	sld [smem:$0x3FFD];
	_ =	sdelay $0x3  }
0x97: {  	_ =	strace s4  }
0x98: {  	_ =	strace $0x8FFFFFFF  }
0x99: {  	s19 =	sld [smem:$0x3FDB];
	_ =	sdelay $0x1  }
0x9a: {  	s5 =	simm.s32 $_scs_section_size  }
0x9b: {  	s6 =	simm.s32 $_size__tile_overlayer_lowered;
	s7 =	simm.s32 $_tile_overlayer_lowered  }
0x9c: {  	s22 =	simm.s32 $0x1BFF;
	s21 =	sshll.u32 s7, $0x1;
	s4 =	sadd.s32 s5, s19  }
0x9d: {  	s8 =	simm.s32 $0x0;
	s20 =	sshll.u32 s6, $0x1;
	s6 =	sadd.s32 s21, s4  }
0x9e: {  	[timem:s8], [sflag:s22] =	dma.local [hbm:s6], s20  }
0x9f: {  	_ =	swait.ge [sflag:s22], s20  }
0xa0: {  	s5 =	ssub.s32 $0x0, s20;
	[sflag:s22] =	ssyncset.done $0x0  }
0xa1: {  	[sflag:s22] =	ssyncadd.s32 s5;
	_ =	sdelay $0x1  }
0xa2: {  	s23 =	simm.s32 $0x1B8B  }
0xa3: {  	_ =	swait.ge [sflag:s23], $0x1  }
0xa4: {  	[sflag:s23] =	ssyncset.done $0x0  }
0xa5: {  	s25 =	simm.s32 $0x1B8E;
	s24 =	sld [smem:$0x3FFE];
	[sflag:s23] =	ssyncadd.s32 $0xFFFFFFFF  }
0xa6: {  	s26 =	simm.s32 $execute0_lowered;
	[smem:$0x3FD2] =	sst s25  }
0xa7: {  	s6 =	sshll.u32 s26, $0x1;
	_ =	strace $0x80000046;
	[dreg:$0x1] =	wrdreg $0xFFFFFFFF  }
0xa8: {  	s28 =	simm.s32 $_size_execute0_lowered;
	s4 =	sadd.s32 s4, s6;
	[dreg:$0x0] =	wrdreg $0x0  }
0xa9: {  	s6 =	sshll.u32 s28, $0x1;
	[dreg:$0x2] =	wrdreg s4  }
0xaa: {  	[dreg:$0x3] =	wrdreg s6  }
0xab: {  	[dreg:$0x4] =	wrdreg $0xC0  }
0xac: {  	_ =	task [dreg:s8], $0x5FFFF  }
0xad: {  	[dreg:$0x1] =	wrdreg $0xFFFFFFFF  }
0xae: {  	[dreg:$0x0] =	wrdreg $0x60  }
0xaf: {  	[dreg:$0x2] =	wrdreg s2  }
0xb0: {  	[dreg:$0x3] =	wrdreg s18  }
0xb1: {  	[dreg:$0x4] =	wrdreg s24  }
0xb2: {  	[dreg:$0x5] =	wrdreg $0x9  }
0xb3: {  	_ =	task.clear_ibuf [dreg:s8], $0x6FFFF;
	_ =	strace $0x90000046  }
0xb4: {  	s29 =	simm.s32 $0x9;
	_ =	strace $0x80000048  }
0xb5: {  	_ =	swait.ge [sflag:s29], $0x1  }
0xb6: {  	[sflag:s29] =	ssyncadd.s32 $0xFFFFFFFF  }
0xb7: {  	_ =	strace $0x90000048  }
0xb8: {  	_ =	sfence  }
0xb9: {  	s30 =	sld [smem:$0x0];
	_ =	sdelay $0x2  }
0xba: {  	s31 =	sshll.u32 s1, $0xD;
	s1 =	sshrl.u32 s1, $0x2  }
0xbb: {  	s3 =	sand.u32 $0x4000, s31;
	s1 =	sadd.s32 s1, s30  }
0xbc: {  	s0 =	sor.u32 s3, s0;
	s1 =	sshll.u32 s1, $0x11  }
0xbd: {  	s0 =	sor.u32 s1, s0  }
0xbe: {  	s0 =	sadd.s32 $0x8F2B, s0  }
0xbf: {  	[sflag:s0] =	ssyncadd.remote.s32 $0x1  }
0xc0: {  	_ =	sfence.sel $0xFFFF  }
0xc1: {  	[dreg:$0x0] =	wrdreg $0xFFFFFFFF;
	(pc) =	sbr.abs _section_cstart, $3  }
0xc2: {  	[dreg:$0x1] =	wrdreg $0xFFFFFFFF  }
0xc3: {  	_ =	task.clear_ibuf [dreg:s8], $0x2FFFF;
	_ =	strace $0x9FFFFFFF  }
0xc4: {  	(tm) =	ssettm $0x7FFFFFFF  }
0xc5: {  	_ =	shalt  }
tec
execute0_lowered:
.L_overlay_start_1:
0x0: {  	(tag) =	ssettag $0x1  }
0x1: {  	s0 =	rddreg [dreg:$0x0]  }
0x2: {  	s1 =	rddreg [dreg:$0x1]  }
0x3: {  	s3 =	rddreg [dreg:$0x2];
	s4 =	srdreg.scid  }
0x4: {  	s18 =	stileid.u32;
	s2 =	simm.s32 $0x0;
	s21 =	simm.s32 $0x8000  }
0x5: {  	s22 =	simm.s32 $0x4000;
	s23 =	simm.s32 $0xC000;
	s24 =	simm.s32 $0x1  }
0x6: {  	s25 =	simm.s32 $0x2;
	s31 =	simm.s32 $0x3;
	s4 =	sand.u32 $0x1, s4  }
0x7: {  	s5 =	sshll.u32 s18, $0x1;
	[smem:$0x7FF] =	sst s2;
	s18 =	sshll.u32 s18, $0x7  }
0x8: {  	s6 =	ssub.s32 $0x2, s4;
	s4 =	sor.u32 s4, s5;
	_ =	strace $0x80000047  }
0x9: {  	s18 =	sand.u32 $0x600, s18;
	s26 =	sshrl.u32 s6, $0x1;
	s17 =	sshll.u32 s4, $0xE  }
0xa: {  	s4 =	sshll.u32 s4, $0x4;
	s3 =	sadd.s32 s3, s18;
	s20 =	ssub.s32 s6, s26  }
0xb: {  	s28 =	sadd.s32 s0, s17;
	s29 =	sor.u32 $0x800, s17;
	s30 =	sadd.s32 s1, s17  }
0xc: {  	s8 =	sor.u32 $0x1000, s17;
	s10 =	sor.u32 $0x1800, s17;
	s12 =	sor.u32 $0x2000, s17  }
0xd: {  	s14 =	sor.u32 $0x2800, s17;
	s16 =	sor.u32 $0x3000, s17;
	s19 =	sor.u32 $0x3800, s17  }
0xe: {  	s4 =	sand.u32 $0x70, s4;
	s26 =	simm.s32 $0x10000;
	[dreg:$0x4] =	wrdreg s28  }
0xf: {  	[dreg:$0x5] =	wrdreg s30;
	s5 =	sadd.s32 s0, s29;
	s6 =	sadd.s32 s1, s29  }
0x10: {  	s7 =	sadd.s32 s0, s8;
	s8 =	sadd.s32 s1, s8;
	s9 =	sadd.s32 s0, s10  }
0x11: {  	s10 =	sadd.s32 s1, s10;
	s11 =	sadd.s32 s0, s12;
	s12 =	sadd.s32 s1, s12  }
0x12: {  	s13 =	sadd.s32 s0, s14;
	s14 =	sadd.s32 s1, s14;
	s15 =	sadd.s32 s0, s16  }
0x13: {  	v1 =	vlaneseq.u32;
	s16 =	sadd.s32 s1, s16;
	s17 =	sadd.s32 s0, s19;
	s18 =	sadd.s32 s1, s19  }
0x14: {  	v0 =	vimm.s32 $0x0;
	v2 =	vimm.s32 $0x1;
	v1 =	vmul.u32 $0x1C0, v1;
	s19 =	sadd.s32 s4, s3;
	s20 =	smax.u32 s20, $0x1;
	s0 =	simm.s32 $0x0  }
.LBB2_1:
0x15: {  	s1 =	simm.s32 $0x40;
	s3 =	simm.s32 $0x0  }
.LBB2_2:
0x16: {  	p0 =	sne.s32 s1, $0x6FC0;
	[tilespmem:s3+$0x10000] =	vst v0;
	s3 =	smov.u32 s1;
	s1 =	sadd.s32 $0x40, s1  }
.Ltmp0:
0x17: {  	(pc) =	sbr.rel @p0 .LBB2_2-.Ltmp0, $2  }
0x18: {  	_ =	sdelay $0x2  }
0x19: {  	s3 =	sshra.s32 s3, $0x2  }
0x1a: {  	[tilespmem:s3+$0x10000] =	vst v0  }
0x1b: {  	s1 =	rddreg [dreg:$0x4]  }
0x1c: {  	[tilespmem:s2], [sflag:$0x1] =	stream.linear.gather [hbm4b:s1+s2], $0x4000, $0x38;
	[tilespmem:$0x11E00] =	vst v63  }
0x1d: {  	s29 =	rddreg [dreg:$0x5]  }
0x1e: {  	[tilespmem:s21], [sflag:$0x2] =	stream.linear.gather [hbm4b:s29+s2], $0x4000, $0x38;
	[tilespmem:$0x11E00] =	vst v63  }
0x1f: {  	_ = 	snop  }
0x20: {  	[tilespmem:s22], [sflag:$0x1] =	stream.linear.gather [hbm4b:s5+s2], $0x4000, $0x38;
	[tilespmem:$0x11E00] =	vst v63  }
0x21: {  	_ = 	snop  }
0x22: {  	[tilespmem:s23], [sflag:$0x2] =	stream.linear.gather [hbm4b:s6+s2], $0x4000, $0x38;
	[tilespmem:$0x11E00] =	vst v63  }
0x23: {  	_ =	swait.ge [sflag:s24], $0x4000  }
0x24: {  	[sflag:s24] =	ssyncset.done $0x0  }
0x25: {  	[sflag:s24] =	ssyncadd.s32 $0xFFFFC000  }
0x26: {  	_ =	swait.ge [sflag:s25], $0x4000  }
0x27: {  	[sflag:s25] =	ssyncset.done $0x0  }
0x28: {  	s30 =	simm.s32 $0x8040;
	[sflag:s25] =	ssyncadd.s32 $0xFFFFC000  }
0x29: {  	s1 =	simm.s32 $0x40;
	v3 =	vld [tilespmem:s30+$0x30]  }
0x2a: {  	v5 =	vld [tilespmem:s1+$0x30]  }
0x2b: {  	v6 =	vld [tilespmem:s30+$0xFFFFFFD0]  }
0x2c: {  	v7 =	vld [tilespmem:s30+$0xFFFFFFE0]  }
0x2d: {  	v8 =	vld [tilespmem:s30+$0xFFFFFFF0]  }
0x2e: {  	v9 =	vld [tilespmem:s30+$0x0]  }
0x2f: {  	v10 =	vld [tilespmem:s1+$0xFFFFFFD0]  }
0x30: {  	v12 =	vld [tilespmem:s1+$0xFFFFFFF0]  }
0x31: {  	v13 =	vld [tilespmem:s1+$0x0];
	v3 =	vmul.u32 $0x15, v3  }
0x32: {  	v11 =	vld [tilespmem:s1+$0xFFFFFFE0];
	v6 =	vmul.u32 $0x15, v6  }
0x33: {  	v4 =	vld [tilespmem:s30+$0xFFFFFFC0];
	v8 =	vmul.u32 $0x15, v8;
	v3 =	vadd.s32 v3, v5  }
0x34: {  	v14 =	vld [tilespmem:s30+$0x10];
	v9 =	vmul.u32 $0x15, v9;
	v6 =	vadd.s32 v6, v10;
	v3 =	vadd.s32 v1, v3  }
0x35: {  	v60 =	vld [tilespmem:s1+$0x10];
	v5 =	vmul.u32 $0x15, v7;
	v8 =	vadd.s32 v8, v12;
	v6 =	vadd.s32 v1, v6  }
0x36: {  	v7 =	vld [tilespmem:s30+$0x20];
	v9 =	vadd.s32 v9, v13;
	v8 =	vadd.s32 v1, v8  }
0x37: {  	v61 =	vld [tilespmem:s1+$0x20];
	v9 =	vadd.s32 v1, v9;
	v5 =	vadd.s32 v5, v11  }
0x38: {  	v62 =	vld [tilespmem:s1+$0xFFFFFFC0];
	v5 =	vadd.s32 v1, v5  }
0x39: {  	[tilespmem:v3+s26+$0x0] =	vst.idx.add.s32.msk $0xffff, v2  }
0x3a: {  	v63 =	vmul.u32 $0x15, v14;
	[tilespmem:v6+s26+$0x0] =	vst.idx.add.s32.msk $0xffff, v2  }
0x3b: {  	v4 =	vmul.u32 $0x15, v4;
	v7 =	vmul.u32 $0x15, v7;
	[tilespmem:v8+s26+$0x0] =	vst.idx.add.s32.msk $0xffff, v2  }
0x3c: {  	v3 =	vadd.s32 v63, v60;
	[tilespmem:v9+s26+$0x0] =	vst.idx.add.s32.msk $0xffff, v2  }
0x3d: {  	v6 =	vadd.s32 v4, v62;
	[tilespmem:v5+s26+$0x0] =	vst.idx.add.s32.msk $0xffff, v2;
	v5 =	vadd.s32 v7, v61  }
0x3e: {  	s28 =	simm.s32 $0x0;
	s3 =	simm.s32 $0x80C0;
	v3 =	vadd.s32 v1, v3;
	v4 =	vadd.s32 v1, v5;
	v5 =	vadd.s32 v1, v6  }
.LBB2_4:
0x3f: {  	v6 =	vld [tilespmem:s3+$0x30];
	s28 =	sadd.s32 $0x8, s28  }
0x40: {  	s1 =	sadd.s32 $0x80, s1;
	v7 =	vld [tilespmem:s3+$0xFFFFFFC0];
	p0 =	slt.u32 s28, $0x3F8  }
0x41: {  	v8 =	vld [tilespmem:s1+$0x30]  }
0x42: {  	v9 =	vld [tilespmem:s3+$0xFFFFFFD0]  }
0x43: {  	v10 =	vld [tilespmem:s3+$0xFFFFFFE0]  }
0x44: {  	v11 =	vld [tilespmem:s3+$0xFFFFFFF0];
	v6 =	vmul.u32 $0x15, v6  }
0x45: {  	v7 =	vmul.u32 $0x15, v7;
	v12 =	vld [tilespmem:s3+$0x0]  }
0x46: {  	v13 =	vld [tilespmem:s3+$0x10];
	v6 =	vadd.s32 v6, v8  }
0x47: {  	v8 =	vmul.u32 $0x15, v9;
	v9 =	vld [tilespmem:s3+$0x20];
	v6 =	vadd.s32 v1, v6  }
0x48: {  	v14 =	vld [tilespmem:s1+$0xFFFFFFD0];
	v10 =	vmul.u32 $0x15, v10  }
0x49: {  	v15 =	vld [tilespmem:s1+$0xFFFFFFE0];
	v11 =	vmul.u32 $0x15, v11  }
0x4a: {  	v16 =	vld [tilespmem:s1+$0xFFFFFFF0];
	v12 =	vmul.u32 $0x15, v12  }
0x4b: {  	v17 =	vld [tilespmem:s1+$0x0];
	v13 =	vmul.u32 $0x15, v13  }
0x4c: {  	v9 =	vmul.u32 $0x15, v9;
	[tilespmem:v6+s26+$0x0] =	vst.idx.add.s32.msk $0xffff, v2  }
0x4d: {  	v6 =	vadd.s32 v8, v14;
	v8 =	vld [tilespmem:s1+$0x10]  }
0x4e: {  	v6 =	vadd.s32 v1, v6;
	v10 =	vadd.s32 v10, v15;
	v14 =	vld [tilespmem:s1+$0x20]  }
0x4f: {  	v15 =	vld [tilespmem:s1+$0xFFFFFFC0];
	v10 =	vadd.s32 v1, v10;
	v11 =	vadd.s32 v11, v16  }
0x50: {  	v11 =	vadd.s32 v1, v11;
	v12 =	vadd.s32 v12, v17;
	[tilespmem:v5+s26+$0x0] =	vst.idx.add.s32.msk $0xffff, v2  }
0x51: {  	v12 =	vadd.s32 v1, v12;
	[tilespmem:v3+s26+$0x0] =	vst.idx.add.s32.msk $0xffff, v2  }
.Ltmp1:
0x52: {  	v3 =	vadd.s32 v13, v8;
	[tilespmem:v4+s26+$0x0] =	vst.idx.add.s32.msk $0xffff, v2;
	(pc) =	sbr.rel @p0 .LBB2_4-.Ltmp1, $4  }
0x53: {  	[tilespmem:v6+s26+$0x0] =	vst.idx.add.s32.msk $0xffff, v2;
	v3 =	vadd.s32 v1, v3;
	v4 =	vadd.s32 v9, v14  }
0x54: {  	v5 =	vadd.s32 v7, v15;
	[tilespmem:v10+s26+$0x0] =	vst.idx.add.s32.msk $0xffff, v2;
	v4 =	vadd.s32 v1, v4  }
0x55: {  	v5 =	vadd.s32 v1, v5;
	[tilespmem:v11+s26+$0x0] =	vst.idx.add.s32.msk $0xffff, v2  }
0x56: {  	s3 =	sadd.s32 $0x80, s3;
	[tilespmem:v12+s26+$0x0] =	vst.idx.add.s32.msk $0xffff, v2  }
0x57: {  	_ =	sdelay $0x3  }
0x58: {  	[tilespmem:v5+s26+$0x0] =	vst.idx.add.s32.msk $0xffff, v2  }
0x59: {  	[tilespmem:v3+s26+$0x0] =	vst.idx.add.s32.msk $0xffff, v2  }
0x5a: {  	[tilespmem:v4+s26+$0x0] =	vst.idx.add.s32.msk $0xffff, v2  }
0x5b: {  	[tilespmem:s2], [sflag:$0x1] =	stream.linear.gather [hbm4b:s7+s2], $0x4000, $0x38;
	[tilespmem:$0x11E00] =	vst v63  }
0x5c: {  	_ = 	snop  }
0x5d: {  	[tilespmem:s21], [sflag:$0x2] =	stream.linear.gather [hbm4b:s8+s2], $0x4000, $0x38;
	[tilespmem:$0x11E00] =	vst v63  }
0x5e: {  	_ =	swait.ge [sflag:s24], $0x4000  }
0x5f: {  	[sflag:s24] =	ssyncset.done $0x0  }
0x60: {  	[sflag:s24] =	ssyncadd.s32 $0xFFFFC000  }
0x61: {  	_ =	swait.ge [sflag:s25], $0x4000  }
0x62: {  	[sflag:s25] =	ssyncset.done $0x0  }
0x63: {  	s3 =	simm.s32 $0xC040;
	[sflag:s25] =	ssyncadd.s32 $0xFFFFC000  }
0x64: {  	s1 =	simm.s32 $0x4040;
	v3 =	vld [tilespmem:s3+$0x30]  }
0x65: {  	v5 =	vld [tilespmem:s1+$0x30]  }
0x66: {  	v6 =	vld [tilespmem:s3+$0xFFFFFFD0]  }
0x67: {  	v7 =	vld [tilespmem:s3+$0xFFFFFFE0]  }
0x68: {  	v8 =	vld [tilespmem:s3+$0xFFFFFFF0]  }
0x69: {  	v9 =	vld [tilespmem:s3+$0x0]  }
0x6a: {  	v10 =	vld [tilespmem:s1+$0xFFFFFFD0]  }
0x6b: {  	v12 =	vld [tilespmem:s1+$0xFFFFFFF0]  }
0x6c: {  	v13 =	vld [tilespmem:s1+$0x0];
	v3 =	vmul.u32 $0x15, v3  }
0x6d: {  	v11 =	vld [tilespmem:s1+$0xFFFFFFE0];
	v6 =	vmul.u32 $0x15, v6  }
0x6e: {  	v4 =	vld [tilespmem:s3+$0xFFFFFFC0];
	v8 =	vmul.u32 $0x15, v8;
	v3 =	vadd.s32 v3, v5  }
0x6f: {  	v14 =	vld [tilespmem:s3+$0x10];
	v9 =	vmul.u32 $0x15, v9;
	v6 =	vadd.s32 v6, v10;
	v3 =	vadd.s32 v1, v3  }
0x70: {  	v60 =	vld [tilespmem:s1+$0x10];
	v5 =	vmul.u32 $0x15, v7;
	v8 =	vadd.s32 v8, v12;
	v6 =	vadd.s32 v1, v6  }
0x71: {  	v7 =	vld [tilespmem:s3+$0x20];
	v9 =	vadd.s32 v9, v13;
	v8 =	vadd.s32 v1, v8  }
0x72: {  	v61 =	vld [tilespmem:s1+$0x20];
	v9 =	vadd.s32 v1, v9;
	v5 =	vadd.s32 v5, v11  }
0x73: {  	v62 =	vld [tilespmem:s1+$0xFFFFFFC0];
	v5 =	vadd.s32 v1, v5  }
0x74: {  	[tilespmem:v3+s26+$0x0] =	vst.idx.add.s32.msk $0xffff, v2  }
0x75: {  	v63 =	vmul.u32 $0x15, v14;
	[tilespmem:v6+s26+$0x0] =	vst.idx.add.s32.msk $0xffff, v2  }
0x76: {  	v4 =	vmul.u32 $0x15, v4;
	v7 =	vmul.u32 $0x15, v7;
	[tilespmem:v8+s26+$0x0] =	vst.idx.add.s32.msk $0xffff, v2  }
0x77: {  	v3 =	vadd.s32 v63, v60;
	[tilespmem:v9+s26+$0x0] =	vst.idx.add.s32.msk $0xffff, v2  }
0x78: {  	v6 =	vadd.s32 v4, v62;
	[tilespmem:v5+s26+$0x0] =	vst.idx.add.s32.msk $0xffff, v2;
	v5 =	vadd.s32 v7, v61  }
0x79: {  	s28 =	simm.s32 $0x0;
	s3 =	simm.s32 $0xC0C0;
	v3 =	vadd.s32 v1, v3;
	v4 =	vadd.s32 v1, v5;
	v5 =	vadd.s32 v1, v6  }
.LBB2_6:
0x7a: {  	v6 =	vld [tilespmem:s3+$0x30];
	s28 =	sadd.s32 $0x8, s28  }
0x7b: {  	s1 =	sadd.s32 $0x80, s1;
	v7 =	vld [tilespmem:s3+$0xFFFFFFC0];
	p0 =	slt.u32 s28, $0x3F8  }
0x7c: {  	v8 =	vld [tilespmem:s1+$0x30]  }
0x7d: {  	v9 =	vld [tilespmem:s3+$0xFFFFFFD0]  }
0x7e: {  	v10 =	vld [tilespmem:s3+$0xFFFFFFE0]  }
0x7f: {  	v11 =	vld [tilespmem:s3+$0xFFFFFFF0];
	v6 =	vmul.u32 $0x15, v6  }
0x80: {  	v7 =	vmul.u32 $0x15, v7;
	v12 =	vld [tilespmem:s3+$0x0]  }
0x81: {  	v13 =	vld [tilespmem:s3+$0x10];
	v6 =	vadd.s32 v6, v8  }
0x82: {  	v8 =	vmul.u32 $0x15, v9;
	v9 =	vld [tilespmem:s3+$0x20];
	v6 =	vadd.s32 v1, v6  }
0x83: {  	v14 =	vld [tilespmem:s1+$0xFFFFFFD0];
	v10 =	vmul.u32 $0x15, v10  }
0x84: {  	v15 =	vld [tilespmem:s1+$0xFFFFFFE0];
	v11 =	vmul.u32 $0x15, v11  }
0x85: {  	v16 =	vld [tilespmem:s1+$0xFFFFFFF0];
	v12 =	vmul.u32 $0x15, v12  }
0x86: {  	v17 =	vld [tilespmem:s1+$0x0];
	v13 =	vmul.u32 $0x15, v13  }
0x87: {  	v9 =	vmul.u32 $0x15, v9;
	[tilespmem:v6+s26+$0x0] =	vst.idx.add.s32.msk $0xffff, v2  }
0x88: {  	v6 =	vadd.s32 v8, v14;
	v8 =	vld [tilespmem:s1+$0x10]  }
0x89: {  	v6 =	vadd.s32 v1, v6;
	v10 =	vadd.s32 v10, v15;
	v14 =	vld [tilespmem:s1+$0x20]  }
0x8a: {  	v15 =	vld [tilespmem:s1+$0xFFFFFFC0];
	v10 =	vadd.s32 v1, v10;
	v11 =	vadd.s32 v11, v16  }
0x8b: {  	v11 =	vadd.s32 v1, v11;
	v12 =	vadd.s32 v12, v17;
	[tilespmem:v5+s26+$0x0] =	vst.idx.add.s32.msk $0xffff, v2  }
0x8c: {  	v12 =	vadd.s32 v1, v12;
	[tilespmem:v3+s26+$0x0] =	vst.idx.add.s32.msk $0xffff, v2  }
.Ltmp2:
0x8d: {  	v3 =	vadd.s32 v13, v8;
	[tilespmem:v4+s26+$0x0] =	vst.idx.add.s32.msk $0xffff, v2;
	(pc) =	sbr.rel @p0 .LBB2_6-.Ltmp2, $4  }
0x8e: {  	[tilespmem:v6+s26+$0x0] =	vst.idx.add.s32.msk $0xffff, v2;
	v3 =	vadd.s32 v1, v3;
	v4 =	vadd.s32 v9, v14  }
0x8f: {  	v5 =	vadd.s32 v7, v15;
	[tilespmem:v10+s26+$0x0] =	vst.idx.add.s32.msk $0xffff, v2;
	v4 =	vadd.s32 v1, v4  }
0x90: {  	v5 =	vadd.s32 v1, v5;
	[tilespmem:v11+s26+$0x0] =	vst.idx.add.s32.msk $0xffff, v2  }
0x91: {  	s3 =	sadd.s32 $0x80, s3;
	[tilespmem:v12+s26+$0x0] =	vst.idx.add.s32.msk $0xffff, v2  }
0x92: {  	_ =	sdelay $0x3  }
0x93: {  	[tilespmem:v5+s26+$0x0] =	vst.idx.add.s32.msk $0xffff, v2  }
0x94: {  	[tilespmem:v3+s26+$0x0] =	vst.idx.add.s32.msk $0xffff, v2  }
0x95: {  	[tilespmem:v4+s26+$0x0] =	vst.idx.add.s32.msk $0xffff, v2  }
0x96: {  	[tilespmem:s22], [sflag:$0x1] =	stream.linear.gather [hbm4b:s9+s2], $0x4000, $0x38;
	[tilespmem:$0x11E00] =	vst v63  }
0x97: {  	_ = 	snop  }
0x98: {  	[tilespmem:s23], [sflag:$0x2] =	stream.linear.gather [hbm4b:s10+s2], $0x4000, $0x38;
	[tilespmem:$0x11E00] =	vst v63  }
0x99: {  	_ =	swait.ge [sflag:s24], $0x4000  }
0x9a: {  	[sflag:s24] =	ssyncset.done $0x0  }
0x9b: {  	[sflag:s24] =	ssyncadd.s32 $0xFFFFC000  }
0x9c: {  	_ =	swait.ge [sflag:s25], $0x4000  }
0x9d: {  	[sflag:s25] =	ssyncset.done $0x0  }
0x9e: {  	s3 =	simm.s32 $0x8040;
	[sflag:s25] =	ssyncadd.s32 $0xFFFFC000  }
0x9f: {  	s1 =	simm.s32 $0x40;
	v3 =	vld [tilespmem:s3+$0x30]  }
0xa0: {  	v5 =	vld [tilespmem:s1+$0x30]  }
0xa1: {  	v6 =	vld [tilespmem:s3+$0xFFFFFFD0]  }
0xa2: {  	v7 =	vld [tilespmem:s3+$0xFFFFFFE0]  }
0xa3: {  	v8 =	vld [tilespmem:s3+$0xFFFFFFF0]  }
0xa4: {  	v9 =	vld [tilespmem:s3+$0x0]  }
0xa5: {  	v10 =	vld [tilespmem:s1+$0xFFFFFFD0]  }
0xa6: {  	v12 =	vld [tilespmem:s1+$0xFFFFFFF0]  }
0xa7: {  	v13 =	vld [tilespmem:s1+$0x0];
	v3 =	vmul.u32 $0x15, v3  }
0xa8: {  	v11 =	vld [tilespmem:s1+$0xFFFFFFE0];
	v6 =	vmul.u32 $0x15, v6  }
0xa9: {  	v4 =	vld [tilespmem:s3+$0xFFFFFFC0];
	v8 =	vmul.u32 $0x15, v8;
	v3 =	vadd.s32 v3, v5  }
0xaa: {  	v14 =	vld [tilespmem:s3+$0x10];
	v9 =	vmul.u32 $0x15, v9;
	v6 =	vadd.s32 v6, v10;
	v3 =	vadd.s32 v1, v3  }
0xab: {  	v60 =	vld [tilespmem:s1+$0x10];
	v5 =	vmul.u32 $0x15, v7;
	v8 =	vadd.s32 v8, v12;
	v6 =	vadd.s32 v1, v6  }
0xac: {  	v7 =	vld [tilespmem:s3+$0x20];
	v9 =	vadd.s32 v9, v13;
	v8 =	vadd.s32 v1, v8  }
0xad: {  	v61 =	vld [tilespmem:s1+$0x20];
	v9 =	vadd.s32 v1, v9;
	v5 =	vadd.s32 v5, v11  }
0xae: {  	v62 =	vld [tilespmem:s1+$0xFFFFFFC0];
	v5 =	vadd.s32 v1, v5  }
0xaf: {  	[tilespmem:v3+s26+$0x0] =	vst.idx.add.s32.msk $0xffff, v2  }
0xb0: {  	v63 =	vmul.u32 $0x15, v14;
	[tilespmem:v6+s26+$0x0] =	vst.idx.add.s32.msk $0xffff, v2  }
0xb1: {  	v4 =	vmul.u32 $0x15, v4;
	v7 =	vmul.u32 $0x15, v7;
	[tilespmem:v8+s26+$0x0] =	vst.idx.add.s32.msk $0xffff, v2  }
0xb2: {  	v3 =	vadd.s32 v63, v60;
	[tilespmem:v9+s26+$0x0] =	vst.idx.add.s32.msk $0xffff, v2  }
0xb3: {  	v6 =	vadd.s32 v4, v62;
	[tilespmem:v5+s26+$0x0] =	vst.idx.add.s32.msk $0xffff, v2;
	v5 =	vadd.s32 v7, v61  }
0xb4: {  	s28 =	simm.s32 $0x0;
	s3 =	simm.s32 $0x80C0;
	v3 =	vadd.s32 v1, v3;
	v4 =	vadd.s32 v1, v5;
	v5 =	vadd.s32 v1, v6  }
.LBB2_8:
0xb5: {  	v6 =	vld [tilespmem:s3+$0x30];
	s28 =	sadd.s32 $0x8, s28  }
0xb6: {  	s1 =	sadd.s32 $0x80, s1;
	v7 =	vld [tilespmem:s3+$0xFFFFFFC0];
	p0 =	slt.u32 s28, $0x3F8  }
0xb7: {  	v8 =	vld [tilespmem:s1+$0x30]  }
0xb8: {  	v9 =	vld [tilespmem:s3+$0xFFFFFFD0]  }
0xb9: {  	v10 =	vld [tilespmem:s3+$0xFFFFFFE0]  }
0xba: {  	v11 =	vld [tilespmem:s3+$0xFFFFFFF0];
	v6 =	vmul.u32 $0x15, v6  }
0xbb: {  	v7 =	vmul.u32 $0x15, v7;
	v12 =	vld [tilespmem:s3+$0x0]  }
0xbc: {  	v13 =	vld [tilespmem:s3+$0x10];
	v6 =	vadd.s32 v6, v8  }
0xbd: {  	v8 =	vmul.u32 $0x15, v9;
	v9 =	vld [tilespmem:s3+$0x20];
	v6 =	vadd.s32 v1, v6  }
0xbe: {  	v14 =	vld [tilespmem:s1+$0xFFFFFFD0];
	v10 =	vmul.u32 $0x15, v10  }
0xbf: {  	v15 =	vld [tilespmem:s1+$0xFFFFFFE0];
	v11 =	vmul.u32 $0x15, v11  }
0xc0: {  	v16 =	vld [tilespmem:s1+$0xFFFFFFF0];
	v12 =	vmul.u32 $0x15, v12  }
0xc1: {  	v17 =	vld [tilespmem:s1+$0x0];
	v13 =	vmul.u32 $0x15, v13  }
0xc2: {  	v9 =	vmul.u32 $0x15, v9;
	[tilespmem:v6+s26+$0x0] =	vst.idx.add.s32.msk $0xffff, v2  }
0xc3: {  	v6 =	vadd.s32 v8, v14;
	v8 =	vld [tilespmem:s1+$0x10]  }
0xc4: {  	v6 =	vadd.s32 v1, v6;
	v10 =	vadd.s32 v10, v15;
	v14 =	vld [tilespmem:s1+$0x20]  }
0xc5: {  	v15 =	vld [tilespmem:s1+$0xFFFFFFC0];
	v10 =	vadd.s32 v1, v10;
	v11 =	vadd.s32 v11, v16  }
0xc6: {  	v11 =	vadd.s32 v1, v11;
	v12 =	vadd.s32 v12, v17;
	[tilespmem:v5+s26+$0x0] =	vst.idx.add.s32.msk $0xffff, v2  }
0xc7: {  	v12 =	vadd.s32 v1, v12;
	[tilespmem:v3+s26+$0x0] =	vst.idx.add.s32.msk $0xffff, v2  }
.Ltmp3:
0xc8: {  	v3 =	vadd.s32 v13, v8;
	[tilespmem:v4+s26+$0x0] =	vst.idx.add.s32.msk $0xffff, v2;
	(pc) =	sbr.rel @p0 .LBB2_8-.Ltmp3, $4  }
0xc9: {  	[tilespmem:v6+s26+$0x0] =	vst.idx.add.s32.msk $0xffff, v2;
	v3 =	vadd.s32 v1, v3;
	v4 =	vadd.s32 v9, v14  }
0xca: {  	v5 =	vadd.s32 v7, v15;
	[tilespmem:v10+s26+$0x0] =	vst.idx.add.s32.msk $0xffff, v2;
	v4 =	vadd.s32 v1, v4  }
0xcb: {  	v5 =	vadd.s32 v1, v5;
	[tilespmem:v11+s26+$0x0] =	vst.idx.add.s32.msk $0xffff, v2  }
0xcc: {  	s3 =	sadd.s32 $0x80, s3;
	[tilespmem:v12+s26+$0x0] =	vst.idx.add.s32.msk $0xffff, v2  }
0xcd: {  	_ =	sdelay $0x3  }
0xce: {  	[tilespmem:v5+s26+$0x0] =	vst.idx.add.s32.msk $0xffff, v2  }
0xcf: {  	[tilespmem:v3+s26+$0x0] =	vst.idx.add.s32.msk $0xffff, v2  }
0xd0: {  	[tilespmem:v4+s26+$0x0] =	vst.idx.add.s32.msk $0xffff, v2  }
0xd1: {  	[tilespmem:s2], [sflag:$0x1] =	stream.linear.gather [hbm4b:s11+s2], $0x4000, $0x38;
	[tilespmem:$0x11E00] =	vst v63  }
0xd2: {  	_ = 	snop  }
0xd3: {  	[tilespmem:s21], [sflag:$0x2] =	stream.linear.gather [hbm4b:s12+s2], $0x4000, $0x38;
	[tilespmem:$0x11E00] =	vst v63  }
0xd4: {  	_ =	swait.ge [sflag:s24], $0x4000  }
0xd5: {  	[sflag:s24] =	ssyncset.done $0x0  }
0xd6: {  	[sflag:s24] =	ssyncadd.s32 $0xFFFFC000  }
0xd7: {  	_ =	swait.ge [sflag:s25], $0x4000  }
0xd8: {  	[sflag:s25] =	ssyncset.done $0x0  }
0xd9: {  	s3 =	simm.s32 $0xC040;
	[sflag:s25] =	ssyncadd.s32 $0xFFFFC000  }
0xda: {  	s1 =	simm.s32 $0x4040;
	v3 =	vld [tilespmem:s3+$0x30]  }
0xdb: {  	v5 =	vld [tilespmem:s1+$0x30]  }
0xdc: {  	v6 =	vld [tilespmem:s3+$0xFFFFFFD0]  }
0xdd: {  	v7 =	vld [tilespmem:s3+$0xFFFFFFE0]  }
0xde: {  	v8 =	vld [tilespmem:s3+$0xFFFFFFF0]  }
0xdf: {  	v9 =	vld [tilespmem:s3+$0x0]  }
0xe0: {  	v10 =	vld [tilespmem:s1+$0xFFFFFFD0]  }
0xe1: {  	v12 =	vld [tilespmem:s1+$0xFFFFFFF0]  }
0xe2: {  	v13 =	vld [tilespmem:s1+$0x0];
	v3 =	vmul.u32 $0x15, v3  }
0xe3: {  	v11 =	vld [tilespmem:s1+$0xFFFFFFE0];
	v6 =	vmul.u32 $0x15, v6  }
0xe4: {  	v4 =	vld [tilespmem:s3+$0xFFFFFFC0];
	v8 =	vmul.u32 $0x15, v8;
	v3 =	vadd.s32 v3, v5  }
0xe5: {  	v14 =	vld [tilespmem:s3+$0x10];
	v9 =	vmul.u32 $0x15, v9;
	v6 =	vadd.s32 v6, v10;
	v3 =	vadd.s32 v1, v3  }
0xe6: {  	v60 =	vld [tilespmem:s1+$0x10];
	v5 =	vmul.u32 $0x15, v7;
	v8 =	vadd.s32 v8, v12;
	v6 =	vadd.s32 v1, v6  }
0xe7: {  	v7 =	vld [tilespmem:s3+$0x20];
	v9 =	vadd.s32 v9, v13;
	v8 =	vadd.s32 v1, v8  }
0xe8: {  	v61 =	vld [tilespmem:s1+$0x20];
	v9 =	vadd.s32 v1, v9;
	v5 =	vadd.s32 v5, v11  }
0xe9: {  	v62 =	vld [tilespmem:s1+$0xFFFFFFC0];
	v5 =	vadd.s32 v1, v5  }
0xea: {  	[tilespmem:v3+s26+$0x0] =	vst.idx.add.s32.msk $0xffff, v2  }
0xeb: {  	v63 =	vmul.u32 $0x15, v14;
	[tilespmem:v6+s26+$0x0] =	vst.idx.add.s32.msk $0xffff, v2  }
0xec: {  	v4 =	vmul.u32 $0x15, v4;
	v7 =	vmul.u32 $0x15, v7;
	[tilespmem:v8+s26+$0x0] =	vst.idx.add.s32.msk $0xffff, v2  }
0xed: {  	v3 =	vadd.s32 v63, v60;
	[tilespmem:v9+s26+$0x0] =	vst.idx.add.s32.msk $0xffff, v2  }
0xee: {  	v6 =	vadd.s32 v4, v62;
	[tilespmem:v5+s26+$0x0] =	vst.idx.add.s32.msk $0xffff, v2;
	v5 =	vadd.s32 v7, v61  }
0xef: {  	s28 =	simm.s32 $0x0;
	s3 =	simm.s32 $0xC0C0;
	v3 =	vadd.s32 v1, v3;
	v4 =	vadd.s32 v1, v5;
	v5 =	vadd.s32 v1, v6  }
.LBB2_10:
0xf0: {  	v6 =	vld [tilespmem:s3+$0x30];
	s28 =	sadd.s32 $0x8, s28  }
0xf1: {  	s1 =	sadd.s32 $0x80, s1;
	v7 =	vld [tilespmem:s3+$0xFFFFFFC0];
	p0 =	slt.u32 s28, $0x3F8  }
0xf2: {  	v8 =	vld [tilespmem:s1+$0x30]  }
0xf3: {  	v9 =	vld [tilespmem:s3+$0xFFFFFFD0]  }
0xf4: {  	v10 =	vld [tilespmem:s3+$0xFFFFFFE0]  }
0xf5: {  	v11 =	vld [tilespmem:s3+$0xFFFFFFF0];
	v6 =	vmul.u32 $0x15, v6  }
0xf6: {  	v7 =	vmul.u32 $0x15, v7;
	v12 =	vld [tilespmem:s3+$0x0]  }
0xf7: {  	v13 =	vld [tilespmem:s3+$0x10];
	v6 =	vadd.s32 v6, v8  }
0xf8: {  	v8 =	vmul.u32 $0x15, v9;
	v9 =	vld [tilespmem:s3+$0x20];
	v6 =	vadd.s32 v1, v6  }
0xf9: {  	v14 =	vld [tilespmem:s1+$0xFFFFFFD0];
	v10 =	vmul.u32 $0x15, v10  }
0xfa: {  	v15 =	vld [tilespmem:s1+$0xFFFFFFE0];
	v11 =	vmul.u32 $0x15, v11  }
0xfb: {  	v16 =	vld [tilespmem:s1+$0xFFFFFFF0];
	v12 =	vmul.u32 $0x15, v12  }
0xfc: {  	v17 =	vld [tilespmem:s1+$0x0];
	v13 =	vmul.u32 $0x15, v13  }
0xfd: {  	v9 =	vmul.u32 $0x15, v9;
	[tilespmem:v6+s26+$0x0] =	vst.idx.add.s32.msk $0xffff, v2  }
0xfe: {  	v6 =	vadd.s32 v8, v14;
	v8 =	vld [tilespmem:s1+$0x10]  }
0xff: {  	v6 =	vadd.s32 v1, v6;
	v10 =	vadd.s32 v10, v15;
	v14 =	vld [tilespmem:s1+$0x20]  }
0x100: {  	v15 =	vld [tilespmem:s1+$0xFFFFFFC0];
	v10 =	vadd.s32 v1, v10;
	v11 =	vadd.s32 v11, v16  }
0x101: {  	v11 =	vadd.s32 v1, v11;
	v12 =	vadd.s32 v12, v17;
	[tilespmem:v5+s26+$0x0] =	vst.idx.add.s32.msk $0xffff, v2  }
0x102: {  	v12 =	vadd.s32 v1, v12;
	[tilespmem:v3+s26+$0x0] =	vst.idx.add.s32.msk $0xffff, v2  }
.Ltmp4:
0x103: {  	v3 =	vadd.s32 v13, v8;
	[tilespmem:v4+s26+$0x0] =	vst.idx.add.s32.msk $0xffff, v2;
	(pc) =	sbr.rel @p0 .LBB2_10-.Ltmp4, $4  }
0x104: {  	[tilespmem:v6+s26+$0x0] =	vst.idx.add.s32.msk $0xffff, v2;
	v3 =	vadd.s32 v1, v3;
	v4 =	vadd.s32 v9, v14  }
0x105: {  	v5 =	vadd.s32 v7, v15;
	[tilespmem:v10+s26+$0x0] =	vst.idx.add.s32.msk $0xffff, v2;
	v4 =	vadd.s32 v1, v4  }
0x106: {  	v5 =	vadd.s32 v1, v5;
	[tilespmem:v11+s26+$0x0] =	vst.idx.add.s32.msk $0xffff, v2  }
0x107: {  	s3 =	sadd.s32 $0x80, s3;
	[tilespmem:v12+s26+$0x0] =	vst.idx.add.s32.msk $0xffff, v2  }
0x108: {  	_ =	sdelay $0x3  }
0x109: {  	[tilespmem:v5+s26+$0x0] =	vst.idx.add.s32.msk $0xffff, v2  }
0x10a: {  	[tilespmem:v3+s26+$0x0] =	vst.idx.add.s32.msk $0xffff, v2  }
0x10b: {  	[tilespmem:v4+s26+$0x0] =	vst.idx.add.s32.msk $0xffff, v2  }
0x10c: {  	[tilespmem:s22], [sflag:$0x1] =	stream.linear.gather [hbm4b:s13+s2], $0x4000, $0x38;
	[tilespmem:$0x11E00] =	vst v63  }
0x10d: {  	_ = 	snop  }
0x10e: {  	[tilespmem:s23], [sflag:$0x2] =	stream.linear.gather [hbm4b:s14+s2], $0x4000, $0x38;
	[tilespmem:$0x11E00] =	vst v63  }
0x10f: {  	_ =	swait.ge [sflag:s24], $0x4000  }
0x110: {  	[sflag:s24] =	ssyncset.done $0x0  }
0x111: {  	[sflag:s24] =	ssyncadd.s32 $0xFFFFC000  }
0x112: {  	_ =	swait.ge [sflag:s25], $0x4000  }
0x113: {  	[sflag:s25] =	ssyncset.done $0x0  }
0x114: {  	s3 =	simm.s32 $0x8040;
	[sflag:s25] =	ssyncadd.s32 $0xFFFFC000  }
0x115: {  	s1 =	simm.s32 $0x40;
	v3 =	vld [tilespmem:s3+$0x30]  }
0x116: {  	v5 =	vld [tilespmem:s1+$0x30]  }
0x117: {  	v6 =	vld [tilespmem:s3+$0xFFFFFFD0]  }
0x118: {  	v7 =	vld [tilespmem:s3+$0xFFFFFFE0]  }
0x119: {  	v8 =	vld [tilespmem:s3+$0xFFFFFFF0]  }
0x11a: {  	v9 =	vld [tilespmem:s3+$0x0]  }
0x11b: {  	v10 =	vld [tilespmem:s1+$0xFFFFFFD0]  }
0x11c: {  	v12 =	vld [tilespmem:s1+$0xFFFFFFF0]  }
0x11d: {  	v13 =	vld [tilespmem:s1+$0x0];
	v3 =	vmul.u32 $0x15, v3  }
0x11e: {  	v11 =	vld [tilespmem:s1+$0xFFFFFFE0];
	v6 =	vmul.u32 $0x15, v6  }
0x11f: {  	v4 =	vld [tilespmem:s3+$0xFFFFFFC0];
	v8 =	vmul.u32 $0x15, v8;
	v3 =	vadd.s32 v3, v5  }
0x120: {  	v14 =	vld [tilespmem:s3+$0x10];
	v9 =	vmul.u32 $0x15, v9;
	v6 =	vadd.s32 v6, v10;
	v3 =	vadd.s32 v1, v3  }
0x121: {  	v60 =	vld [tilespmem:s1+$0x10];
	v5 =	vmul.u32 $0x15, v7;
	v8 =	vadd.s32 v8, v12;
	v6 =	vadd.s32 v1, v6  }
0x122: {  	v7 =	vld [tilespmem:s3+$0x20];
	v9 =	vadd.s32 v9, v13;
	v8 =	vadd.s32 v1, v8  }
0x123: {  	v61 =	vld [tilespmem:s1+$0x20];
	v9 =	vadd.s32 v1, v9;
	v5 =	vadd.s32 v5, v11  }
0x124: {  	v62 =	vld [tilespmem:s1+$0xFFFFFFC0];
	v5 =	vadd.s32 v1, v5  }
0x125: {  	[tilespmem:v3+s26+$0x0] =	vst.idx.add.s32.msk $0xffff, v2  }
0x126: {  	v63 =	vmul.u32 $0x15, v14;
	[tilespmem:v6+s26+$0x0] =	vst.idx.add.s32.msk $0xffff, v2  }
0x127: {  	v4 =	vmul.u32 $0x15, v4;
	v7 =	vmul.u32 $0x15, v7;
	[tilespmem:v8+s26+$0x0] =	vst.idx.add.s32.msk $0xffff, v2  }
0x128: {  	v3 =	vadd.s32 v63, v60;
	[tilespmem:v9+s26+$0x0] =	vst.idx.add.s32.msk $0xffff, v2  }
0x129: {  	v6 =	vadd.s32 v4, v62;
	[tilespmem:v5+s26+$0x0] =	vst.idx.add.s32.msk $0xffff, v2;
	v5 =	vadd.s32 v7, v61  }
0x12a: {  	s28 =	simm.s32 $0x0;
	s3 =	simm.s32 $0x80C0;
	v3 =	vadd.s32 v1, v3;
	v4 =	vadd.s32 v1, v5;
	v5 =	vadd.s32 v1, v6  }
.LBB2_12:
0x12b: {  	v6 =	vld [tilespmem:s3+$0x30];
	s28 =	sadd.s32 $0x8, s28  }
0x12c: {  	s1 =	sadd.s32 $0x80, s1;
	v7 =	vld [tilespmem:s3+$0xFFFFFFC0];
	p0 =	slt.u32 s28, $0x3F8  }
0x12d: {  	v8 =	vld [tilespmem:s1+$0x30]  }
0x12e: {  	v9 =	vld [tilespmem:s3+$0xFFFFFFD0]  }
0x12f: {  	v10 =	vld [tilespmem:s3+$0xFFFFFFE0]  }
0x130: {  	v11 =	vld [tilespmem:s3+$0xFFFFFFF0];
	v6 =	vmul.u32 $0x15, v6  }
0x131: {  	v7 =	vmul.u32 $0x15, v7;
	v12 =	vld [tilespmem:s3+$0x0]  }
0x132: {  	v13 =	vld [tilespmem:s3+$0x10];
	v6 =	vadd.s32 v6, v8  }
0x133: {  	v8 =	vmul.u32 $0x15, v9;
	v9 =	vld [tilespmem:s3+$0x20];
	v6 =	vadd.s32 v1, v6  }
0x134: {  	v14 =	vld [tilespmem:s1+$0xFFFFFFD0];
	v10 =	vmul.u32 $0x15, v10  }
0x135: {  	v15 =	vld [tilespmem:s1+$0xFFFFFFE0];
	v11 =	vmul.u32 $0x15, v11  }
0x136: {  	v16 =	vld [tilespmem:s1+$0xFFFFFFF0];
	v12 =	vmul.u32 $0x15, v12  }
0x137: {  	v17 =	vld [tilespmem:s1+$0x0];
	v13 =	vmul.u32 $0x15, v13  }
0x138: {  	v9 =	vmul.u32 $0x15, v9;
	[tilespmem:v6+s26+$0x0] =	vst.idx.add.s32.msk $0xffff, v2  }
0x139: {  	v6 =	vadd.s32 v8, v14;
	v8 =	vld [tilespmem:s1+$0x10]  }
0x13a: {  	v6 =	vadd.s32 v1, v6;
	v10 =	vadd.s32 v10, v15;
	v14 =	vld [tilespmem:s1+$0x20]  }
0x13b: {  	v15 =	vld [tilespmem:s1+$0xFFFFFFC0];
	v10 =	vadd.s32 v1, v10;
	v11 =	vadd.s32 v11, v16  }
0x13c: {  	v11 =	vadd.s32 v1, v11;
	v12 =	vadd.s32 v12, v17;
	[tilespmem:v5+s26+$0x0] =	vst.idx.add.s32.msk $0xffff, v2  }
0x13d: {  	v12 =	vadd.s32 v1, v12;
	[tilespmem:v3+s26+$0x0] =	vst.idx.add.s32.msk $0xffff, v2  }
.Ltmp5:
0x13e: {  	v3 =	vadd.s32 v13, v8;
	[tilespmem:v4+s26+$0x0] =	vst.idx.add.s32.msk $0xffff, v2;
	(pc) =	sbr.rel @p0 .LBB2_12-.Ltmp5, $4  }
0x13f: {  	[tilespmem:v6+s26+$0x0] =	vst.idx.add.s32.msk $0xffff, v2;
	v3 =	vadd.s32 v1, v3;
	v4 =	vadd.s32 v9, v14  }
0x140: {  	v5 =	vadd.s32 v7, v15;
	[tilespmem:v10+s26+$0x0] =	vst.idx.add.s32.msk $0xffff, v2;
	v4 =	vadd.s32 v1, v4  }
0x141: {  	v5 =	vadd.s32 v1, v5;
	[tilespmem:v11+s26+$0x0] =	vst.idx.add.s32.msk $0xffff, v2  }
0x142: {  	s3 =	sadd.s32 $0x80, s3;
	[tilespmem:v12+s26+$0x0] =	vst.idx.add.s32.msk $0xffff, v2  }
0x143: {  	_ =	sdelay $0x3  }
0x144: {  	[tilespmem:v5+s26+$0x0] =	vst.idx.add.s32.msk $0xffff, v2  }
0x145: {  	[tilespmem:v3+s26+$0x0] =	vst.idx.add.s32.msk $0xffff, v2  }
0x146: {  	[tilespmem:v4+s26+$0x0] =	vst.idx.add.s32.msk $0xffff, v2  }
0x147: {  	[tilespmem:s2], [sflag:$0x1] =	stream.linear.gather [hbm4b:s15+s2], $0x4000, $0x38;
	[tilespmem:$0x11E00] =	vst v63  }
0x148: {  	_ = 	snop  }
0x149: {  	[tilespmem:s21], [sflag:$0x2] =	stream.linear.gather [hbm4b:s16+s2], $0x4000, $0x38;
	[tilespmem:$0x11E00] =	vst v63  }
0x14a: {  	_ =	swait.ge [sflag:s24], $0x4000  }
0x14b: {  	[sflag:s24] =	ssyncset.done $0x0  }
0x14c: {  	[sflag:s24] =	ssyncadd.s32 $0xFFFFC000  }
0x14d: {  	_ =	swait.ge [sflag:s25], $0x4000  }
0x14e: {  	[sflag:s25] =	ssyncset.done $0x0  }
0x14f: {  	s3 =	simm.s32 $0xC040;
	[sflag:s25] =	ssyncadd.s32 $0xFFFFC000  }
0x150: {  	s1 =	simm.s32 $0x4040;
	v3 =	vld [tilespmem:s3+$0x30]  }
0x151: {  	v5 =	vld [tilespmem:s1+$0x30]  }
0x152: {  	v6 =	vld [tilespmem:s3+$0xFFFFFFD0]  }
0x153: {  	v7 =	vld [tilespmem:s3+$0xFFFFFFE0]  }
0x154: {  	v8 =	vld [tilespmem:s3+$0xFFFFFFF0]  }
0x155: {  	v9 =	vld [tilespmem:s3+$0x0]  }
0x156: {  	v10 =	vld [tilespmem:s1+$0xFFFFFFD0]  }
0x157: {  	v12 =	vld [tilespmem:s1+$0xFFFFFFF0]  }
0x158: {  	v13 =	vld [tilespmem:s1+$0x0];
	v3 =	vmul.u32 $0x15, v3  }
0x159: {  	v11 =	vld [tilespmem:s1+$0xFFFFFFE0];
	v6 =	vmul.u32 $0x15, v6  }
0x15a: {  	v4 =	vld [tilespmem:s3+$0xFFFFFFC0];
	v8 =	vmul.u32 $0x15, v8;
	v3 =	vadd.s32 v3, v5  }
0x15b: {  	v14 =	vld [tilespmem:s3+$0x10];
	v9 =	vmul.u32 $0x15, v9;
	v6 =	vadd.s32 v6, v10;
	v3 =	vadd.s32 v1, v3  }
0x15c: {  	v60 =	vld [tilespmem:s1+$0x10];
	v5 =	vmul.u32 $0x15, v7;
	v8 =	vadd.s32 v8, v12;
	v6 =	vadd.s32 v1, v6  }
0x15d: {  	v7 =	vld [tilespmem:s3+$0x20];
	v9 =	vadd.s32 v9, v13;
	v8 =	vadd.s32 v1, v8  }
0x15e: {  	v61 =	vld [tilespmem:s1+$0x20];
	v9 =	vadd.s32 v1, v9;
	v5 =	vadd.s32 v5, v11  }
0x15f: {  	v62 =	vld [tilespmem:s1+$0xFFFFFFC0];
	v5 =	vadd.s32 v1, v5  }
0x160: {  	[tilespmem:v3+s26+$0x0] =	vst.idx.add.s32.msk $0xffff, v2  }
0x161: {  	v63 =	vmul.u32 $0x15, v14;
	[tilespmem:v6+s26+$0x0] =	vst.idx.add.s32.msk $0xffff, v2  }
0x162: {  	v4 =	vmul.u32 $0x15, v4;
	v7 =	vmul.u32 $0x15, v7;
	[tilespmem:v8+s26+$0x0] =	vst.idx.add.s32.msk $0xffff, v2  }
0x163: {  	v3 =	vadd.s32 v63, v60;
	[tilespmem:v9+s26+$0x0] =	vst.idx.add.s32.msk $0xffff, v2  }
0x164: {  	v6 =	vadd.s32 v4, v62;
	[tilespmem:v5+s26+$0x0] =	vst.idx.add.s32.msk $0xffff, v2;
	v5 =	vadd.s32 v7, v61  }
0x165: {  	s28 =	simm.s32 $0x0;
	s3 =	simm.s32 $0xC0C0;
	v3 =	vadd.s32 v1, v3;
	v4 =	vadd.s32 v1, v5;
	v5 =	vadd.s32 v1, v6  }
.LBB2_14:
0x166: {  	v6 =	vld [tilespmem:s3+$0x30];
	s28 =	sadd.s32 $0x8, s28  }
0x167: {  	s1 =	sadd.s32 $0x80, s1;
	v7 =	vld [tilespmem:s3+$0xFFFFFFC0];
	p0 =	slt.u32 s28, $0x3F8  }
0x168: {  	v8 =	vld [tilespmem:s1+$0x30]  }
0x169: {  	v9 =	vld [tilespmem:s3+$0xFFFFFFD0]  }
0x16a: {  	v10 =	vld [tilespmem:s3+$0xFFFFFFE0]  }
0x16b: {  	v11 =	vld [tilespmem:s3+$0xFFFFFFF0];
	v6 =	vmul.u32 $0x15, v6  }
0x16c: {  	v7 =	vmul.u32 $0x15, v7;
	v12 =	vld [tilespmem:s3+$0x0]  }
0x16d: {  	v13 =	vld [tilespmem:s3+$0x10];
	v6 =	vadd.s32 v6, v8  }
0x16e: {  	v8 =	vmul.u32 $0x15, v9;
	v9 =	vld [tilespmem:s3+$0x20];
	v6 =	vadd.s32 v1, v6  }
0x16f: {  	v14 =	vld [tilespmem:s1+$0xFFFFFFD0];
	v10 =	vmul.u32 $0x15, v10  }
0x170: {  	v15 =	vld [tilespmem:s1+$0xFFFFFFE0];
	v11 =	vmul.u32 $0x15, v11  }
0x171: {  	v16 =	vld [tilespmem:s1+$0xFFFFFFF0];
	v12 =	vmul.u32 $0x15, v12  }
0x172: {  	v17 =	vld [tilespmem:s1+$0x0];
	v13 =	vmul.u32 $0x15, v13  }
0x173: {  	v9 =	vmul.u32 $0x15, v9;
	[tilespmem:v6+s26+$0x0] =	vst.idx.add.s32.msk $0xffff, v2  }
0x174: {  	v6 =	vadd.s32 v8, v14;
	v8 =	vld [tilespmem:s1+$0x10]  }
0x175: {  	v6 =	vadd.s32 v1, v6;
	v10 =	vadd.s32 v10, v15;
	v14 =	vld [tilespmem:s1+$0x20]  }
0x176: {  	v15 =	vld [tilespmem:s1+$0xFFFFFFC0];
	v10 =	vadd.s32 v1, v10;
	v11 =	vadd.s32 v11, v16  }
0x177: {  	v11 =	vadd.s32 v1, v11;
	v12 =	vadd.s32 v12, v17;
	[tilespmem:v5+s26+$0x0] =	vst.idx.add.s32.msk $0xffff, v2  }
0x178: {  	v12 =	vadd.s32 v1, v12;
	[tilespmem:v3+s26+$0x0] =	vst.idx.add.s32.msk $0xffff, v2  }
.Ltmp6:
0x179: {  	v3 =	vadd.s32 v13, v8;
	[tilespmem:v4+s26+$0x0] =	vst.idx.add.s32.msk $0xffff, v2;
	(pc) =	sbr.rel @p0 .LBB2_14-.Ltmp6, $4  }
0x17a: {  	[tilespmem:v6+s26+$0x0] =	vst.idx.add.s32.msk $0xffff, v2;
	v3 =	vadd.s32 v1, v3;
	v4 =	vadd.s32 v9, v14  }
0x17b: {  	v5 =	vadd.s32 v7, v15;
	[tilespmem:v10+s26+$0x0] =	vst.idx.add.s32.msk $0xffff, v2;
	v4 =	vadd.s32 v1, v4  }
0x17c: {  	v5 =	vadd.s32 v1, v5;
	[tilespmem:v11+s26+$0x0] =	vst.idx.add.s32.msk $0xffff, v2  }
0x17d: {  	s3 =	sadd.s32 $0x80, s3;
	[tilespmem:v12+s26+$0x0] =	vst.idx.add.s32.msk $0xffff, v2  }
0x17e: {  	_ =	sdelay $0x3  }
0x17f: {  	[tilespmem:v5+s26+$0x0] =	vst.idx.add.s32.msk $0xffff, v2  }
0x180: {  	[tilespmem:v3+s26+$0x0] =	vst.idx.add.s32.msk $0xffff, v2  }
0x181: {  	[tilespmem:v4+s26+$0x0] =	vst.idx.add.s32.msk $0xffff, v2  }
0x182: {  	[tilespmem:s22], [sflag:$0x1] =	stream.linear.gather [hbm4b:s17+s2], $0x4000, $0x38;
	[tilespmem:$0x11E00] =	vst v63  }
0x183: {  	_ = 	snop  }
0x184: {  	[tilespmem:s23], [sflag:$0x2] =	stream.linear.gather [hbm4b:s18+s2], $0x4000, $0x38;
	[tilespmem:$0x11E00] =	vst v63  }
0x185: {  	_ =	swait.ge [sflag:s24], $0x4000  }
0x186: {  	[sflag:s24] =	ssyncset.done $0x0  }
0x187: {  	[sflag:s24] =	ssyncadd.s32 $0xFFFFC000  }
0x188: {  	_ =	swait.ge [sflag:s25], $0x4000  }
0x189: {  	[sflag:s25] =	ssyncset.done $0x0  }
0x18a: {  	s3 =	simm.s32 $0x8040;
	[sflag:s25] =	ssyncadd.s32 $0xFFFFC000  }
0x18b: {  	s1 =	simm.s32 $0x40;
	v3 =	vld [tilespmem:s3+$0x30]  }
0x18c: {  	v5 =	vld [tilespmem:s1+$0x30]  }
0x18d: {  	v6 =	vld [tilespmem:s3+$0xFFFFFFD0]  }
0x18e: {  	v7 =	vld [tilespmem:s3+$0xFFFFFFE0]  }
0x18f: {  	v8 =	vld [tilespmem:s3+$0xFFFFFFF0]  }
0x190: {  	v9 =	vld [tilespmem:s3+$0x0]  }
0x191: {  	v10 =	vld [tilespmem:s1+$0xFFFFFFD0]  }
0x192: {  	v12 =	vld [tilespmem:s1+$0xFFFFFFF0]  }
0x193: {  	v13 =	vld [tilespmem:s1+$0x0];
	v3 =	vmul.u32 $0x15, v3  }
0x194: {  	v11 =	vld [tilespmem:s1+$0xFFFFFFE0];
	v6 =	vmul.u32 $0x15, v6  }
0x195: {  	v4 =	vld [tilespmem:s3+$0xFFFFFFC0];
	v8 =	vmul.u32 $0x15, v8;
	v3 =	vadd.s32 v3, v5  }
0x196: {  	v14 =	vld [tilespmem:s3+$0x10];
	v9 =	vmul.u32 $0x15, v9;
	v6 =	vadd.s32 v6, v10;
	v3 =	vadd.s32 v1, v3  }
0x197: {  	v60 =	vld [tilespmem:s1+$0x10];
	v5 =	vmul.u32 $0x15, v7;
	v8 =	vadd.s32 v8, v12;
	v6 =	vadd.s32 v1, v6  }
0x198: {  	v7 =	vld [tilespmem:s3+$0x20];
	v9 =	vadd.s32 v9, v13;
	v8 =	vadd.s32 v1, v8  }
0x199: {  	v61 =	vld [tilespmem:s1+$0x20];
	v9 =	vadd.s32 v1, v9;
	v5 =	vadd.s32 v5, v11  }
0x19a: {  	v62 =	vld [tilespmem:s1+$0xFFFFFFC0];
	v5 =	vadd.s32 v1, v5  }
0x19b: {  	[tilespmem:v3+s26+$0x0] =	vst.idx.add.s32.msk $0xffff, v2  }
0x19c: {  	v63 =	vmul.u32 $0x15, v14;
	[tilespmem:v6+s26+$0x0] =	vst.idx.add.s32.msk $0xffff, v2  }
0x19d: {  	v4 =	vmul.u32 $0x15, v4;
	v7 =	vmul.u32 $0x15, v7;
	[tilespmem:v8+s26+$0x0] =	vst.idx.add.s32.msk $0xffff, v2  }
0x19e: {  	v3 =	vadd.s32 v63, v60;
	[tilespmem:v9+s26+$0x0] =	vst.idx.add.s32.msk $0xffff, v2  }
0x19f: {  	v6 =	vadd.s32 v4, v62;
	[tilespmem:v5+s26+$0x0] =	vst.idx.add.s32.msk $0xffff, v2;
	v5 =	vadd.s32 v7, v61  }
0x1a0: {  	s28 =	simm.s32 $0x0;
	s3 =	simm.s32 $0x80C0;
	v3 =	vadd.s32 v1, v3;
	v4 =	vadd.s32 v1, v5;
	v5 =	vadd.s32 v1, v6  }
.LBB2_16:
0x1a1: {  	v6 =	vld [tilespmem:s3+$0x30];
	s28 =	sadd.s32 $0x8, s28  }
0x1a2: {  	s1 =	sadd.s32 $0x80, s1;
	v7 =	vld [tilespmem:s3+$0xFFFFFFC0];
	p0 =	slt.u32 s28, $0x3F8  }
0x1a3: {  	v8 =	vld [tilespmem:s1+$0x30]  }
0x1a4: {  	v9 =	vld [tilespmem:s3+$0xFFFFFFD0]  }
0x1a5: {  	v10 =	vld [tilespmem:s3+$0xFFFFFFE0]  }
0x1a6: {  	v11 =	vld [tilespmem:s3+$0xFFFFFFF0];
	v6 =	vmul.u32 $0x15, v6  }
0x1a7: {  	v7 =	vmul.u32 $0x15, v7;
	v12 =	vld [tilespmem:s3+$0x0]  }
0x1a8: {  	v13 =	vld [tilespmem:s3+$0x10];
	v6 =	vadd.s32 v6, v8  }
0x1a9: {  	v8 =	vmul.u32 $0x15, v9;
	v9 =	vld [tilespmem:s3+$0x20];
	v6 =	vadd.s32 v1, v6  }
0x1aa: {  	v14 =	vld [tilespmem:s1+$0xFFFFFFD0];
	v10 =	vmul.u32 $0x15, v10  }
0x1ab: {  	v15 =	vld [tilespmem:s1+$0xFFFFFFE0];
	v11 =	vmul.u32 $0x15, v11  }
0x1ac: {  	v16 =	vld [tilespmem:s1+$0xFFFFFFF0];
	v12 =	vmul.u32 $0x15, v12  }
0x1ad: {  	v17 =	vld [tilespmem:s1+$0x0];
	v13 =	vmul.u32 $0x15, v13  }
0x1ae: {  	v9 =	vmul.u32 $0x15, v9;
	[tilespmem:v6+s26+$0x0] =	vst.idx.add.s32.msk $0xffff, v2  }
0x1af: {  	v6 =	vadd.s32 v8, v14;
	v8 =	vld [tilespmem:s1+$0x10]  }
0x1b0: {  	v6 =	vadd.s32 v1, v6;
	v10 =	vadd.s32 v10, v15;
	v14 =	vld [tilespmem:s1+$0x20]  }
0x1b1: {  	v15 =	vld [tilespmem:s1+$0xFFFFFFC0];
	v10 =	vadd.s32 v1, v10;
	v11 =	vadd.s32 v11, v16  }
0x1b2: {  	v11 =	vadd.s32 v1, v11;
	v12 =	vadd.s32 v12, v17;
	[tilespmem:v5+s26+$0x0] =	vst.idx.add.s32.msk $0xffff, v2  }
0x1b3: {  	v12 =	vadd.s32 v1, v12;
	[tilespmem:v3+s26+$0x0] =	vst.idx.add.s32.msk $0xffff, v2  }
.Ltmp7:
0x1b4: {  	v3 =	vadd.s32 v13, v8;
	[tilespmem:v4+s26+$0x0] =	vst.idx.add.s32.msk $0xffff, v2;
	(pc) =	sbr.rel @p0 .LBB2_16-.Ltmp7, $4  }
0x1b5: {  	[tilespmem:v6+s26+$0x0] =	vst.idx.add.s32.msk $0xffff, v2;
	v3 =	vadd.s32 v1, v3;
	v4 =	vadd.s32 v9, v14  }
0x1b6: {  	v5 =	vadd.s32 v7, v15;
	[tilespmem:v10+s26+$0x0] =	vst.idx.add.s32.msk $0xffff, v2;
	v4 =	vadd.s32 v1, v4  }
0x1b7: {  	v5 =	vadd.s32 v1, v5;
	[tilespmem:v11+s26+$0x0] =	vst.idx.add.s32.msk $0xffff, v2  }
0x1b8: {  	s3 =	sadd.s32 $0x80, s3;
	[tilespmem:v12+s26+$0x0] =	vst.idx.add.s32.msk $0xffff, v2  }
0x1b9: {  	_ =	sdelay $0x3  }
0x1ba: {  	[tilespmem:v5+s26+$0x0] =	vst.idx.add.s32.msk $0xffff, v2  }
0x1bb: {  	[tilespmem:v3+s26+$0x0] =	vst.idx.add.s32.msk $0xffff, v2  }
0x1bc: {  	[tilespmem:v4+s26+$0x0] =	vst.idx.add.s32.msk $0xffff, v2  }
0x1bd: {  	_ =	swait.ge [sflag:s24], $0x4000  }
0x1be: {  	[sflag:s24] =	ssyncset.done $0x0  }
0x1bf: {  	[sflag:s24] =	ssyncadd.s32 $0xFFFFC000  }
0x1c0: {  	_ =	swait.ge [sflag:s25], $0x4000  }
0x1c1: {  	[sflag:s25] =	ssyncset.done $0x0  }
0x1c2: {  	s1 =	simm.s32 $0xC040;
	[sflag:s25] =	ssyncadd.s32 $0xFFFFC000  }
0x1c3: {  	s28 =	simm.s32 $0x4040;
	v3 =	vld [tilespmem:s1+$0x30]  }
0x1c4: {  	v5 =	vld [tilespmem:s28+$0x30]  }
0x1c5: {  	v6 =	vld [tilespmem:s1+$0xFFFFFFD0]  }
0x1c6: {  	v7 =	vld [tilespmem:s1+$0xFFFFFFE0]  }
0x1c7: {  	v8 =	vld [tilespmem:s1+$0xFFFFFFF0]  }
0x1c8: {  	v9 =	vld [tilespmem:s1+$0x0]  }
0x1c9: {  	v10 =	vld [tilespmem:s28+$0xFFFFFFD0]  }
0x1ca: {  	v12 =	vld [tilespmem:s28+$0xFFFFFFF0]  }
0x1cb: {  	v13 =	vld [tilespmem:s28+$0x0];
	v3 =	vmul.u32 $0x15, v3  }
0x1cc: {  	v11 =	vld [tilespmem:s28+$0xFFFFFFE0];
	v6 =	vmul.u32 $0x15, v6  }
0x1cd: {  	v4 =	vld [tilespmem:s1+$0xFFFFFFC0];
	v8 =	vmul.u32 $0x15, v8;
	v3 =	vadd.s32 v3, v5  }
0x1ce: {  	v14 =	vld [tilespmem:s1+$0x10];
	v9 =	vmul.u32 $0x15, v9;
	v6 =	vadd.s32 v6, v10;
	v3 =	vadd.s32 v1, v3  }
0x1cf: {  	v60 =	vld [tilespmem:s28+$0x10];
	v5 =	vmul.u32 $0x15, v7;
	v8 =	vadd.s32 v8, v12;
	v6 =	vadd.s32 v1, v6  }
0x1d0: {  	v7 =	vld [tilespmem:s1+$0x20];
	v9 =	vadd.s32 v9, v13;
	v8 =	vadd.s32 v1, v8  }
0x1d1: {  	v61 =	vld [tilespmem:s28+$0x20];
	v9 =	vadd.s32 v1, v9;
	v5 =	vadd.s32 v5, v11  }
0x1d2: {  	v62 =	vld [tilespmem:s28+$0xFFFFFFC0];
	v5 =	vadd.s32 v1, v5  }
0x1d3: {  	[tilespmem:v3+s26+$0x0] =	vst.idx.add.s32.msk $0xffff, v2  }
0x1d4: {  	v63 =	vmul.u32 $0x15, v14;
	[tilespmem:v6+s26+$0x0] =	vst.idx.add.s32.msk $0xffff, v2  }
0x1d5: {  	v4 =	vmul.u32 $0x15, v4;
	v7 =	vmul.u32 $0x15, v7;
	[tilespmem:v8+s26+$0x0] =	vst.idx.add.s32.msk $0xffff, v2  }
0x1d6: {  	v3 =	vadd.s32 v63, v60;
	[tilespmem:v9+s26+$0x0] =	vst.idx.add.s32.msk $0xffff, v2  }
0x1d7: {  	v6 =	vadd.s32 v4, v62;
	[tilespmem:v5+s26+$0x0] =	vst.idx.add.s32.msk $0xffff, v2;
	v5 =	vadd.s32 v7, v61  }
0x1d8: {  	s30 =	simm.s32 $0x0;
	s29 =	simm.s32 $0x10FC0;
	s3 =	simm.s32 $0xC0C0;
	v3 =	vadd.s32 v1, v3;
	v4 =	vadd.s32 v1, v5;
	v5 =	vadd.s32 v1, v6  }
.LBB2_18:
0x1d9: {  	v6 =	vld [tilespmem:s3+$0x30];
	s30 =	sadd.s32 $0x8, s30  }
0x1da: {  	s28 =	sadd.s32 $0x80, s28;
	v7 =	vld [tilespmem:s3+$0xFFFFFFC0];
	p0 =	slt.u32 s30, $0x3F8  }
0x1db: {  	v8 =	vld [tilespmem:s28+$0x30]  }
0x1dc: {  	v9 =	vld [tilespmem:s3+$0xFFFFFFD0]  }
0x1dd: {  	v10 =	vld [tilespmem:s3+$0xFFFFFFE0]  }
0x1de: {  	v11 =	vld [tilespmem:s3+$0xFFFFFFF0];
	v6 =	vmul.u32 $0x15, v6  }
0x1df: {  	v7 =	vmul.u32 $0x15, v7;
	v12 =	vld [tilespmem:s3+$0x0]  }
0x1e0: {  	v13 =	vld [tilespmem:s3+$0x10];
	v6 =	vadd.s32 v6, v8  }
0x1e1: {  	v8 =	vmul.u32 $0x15, v9;
	v9 =	vld [tilespmem:s3+$0x20];
	v6 =	vadd.s32 v1, v6  }
0x1e2: {  	v14 =	vld [tilespmem:s28+$0xFFFFFFD0];
	v10 =	vmul.u32 $0x15, v10  }
0x1e3: {  	v15 =	vld [tilespmem:s28+$0xFFFFFFE0];
	v11 =	vmul.u32 $0x15, v11  }
0x1e4: {  	v16 =	vld [tilespmem:s28+$0xFFFFFFF0];
	v12 =	vmul.u32 $0x15, v12  }
0x1e5: {  	v17 =	vld [tilespmem:s28+$0x0];
	v13 =	vmul.u32 $0x15, v13  }
0x1e6: {  	s4 =	simm.s32 $0x0;
	s1 =	simm.s32 $0x11C00;
	v9 =	vmul.u32 $0x15, v9;
	[tilespmem:v6+s26+$0x0] =	vst.idx.add.s32.msk $0xffff, v2  }
0x1e7: {  	v6 =	vadd.s32 v8, v14;
	v8 =	vld [tilespmem:s28+$0x10]  }
0x1e8: {  	v6 =	vadd.s32 v1, v6;
	v10 =	vadd.s32 v10, v15;
	v14 =	vld [tilespmem:s28+$0x20]  }
0x1e9: {  	v15 =	vld [tilespmem:s28+$0xFFFFFFC0];
	v10 =	vadd.s32 v1, v10;
	v11 =	vadd.s32 v11, v16  }
0x1ea: {  	v11 =	vadd.s32 v1, v11;
	v12 =	vadd.s32 v12, v17;
	[tilespmem:v5+s26+$0x0] =	vst.idx.add.s32.msk $0xffff, v2  }
0x1eb: {  	v12 =	vadd.s32 v1, v12;
	[tilespmem:v3+s26+$0x0] =	vst.idx.add.s32.msk $0xffff, v2  }
.Ltmp8:
0x1ec: {  	v3 =	vadd.s32 v13, v8;
	[tilespmem:v4+s26+$0x0] =	vst.idx.add.s32.msk $0xffff, v2;
	(pc) =	sbr.rel @p0 .LBB2_18-.Ltmp8, $4  }
0x1ed: {  	[tilespmem:v6+s26+$0x0] =	vst.idx.add.s32.msk $0xffff, v2;
	v3 =	vadd.s32 v1, v3;
	v4 =	vadd.s32 v9, v14  }
0x1ee: {  	v5 =	vadd.s32 v7, v15;
	[tilespmem:v10+s26+$0x0] =	vst.idx.add.s32.msk $0xffff, v2;
	v4 =	vadd.s32 v1, v4  }
0x1ef: {  	v5 =	vadd.s32 v1, v5;
	[tilespmem:v11+s26+$0x0] =	vst.idx.add.s32.msk $0xffff, v2  }
0x1f0: {  	s3 =	sadd.s32 $0x80, s3;
	[tilespmem:v12+s26+$0x0] =	vst.idx.add.s32.msk $0xffff, v2  }
0x1f1: {  	_ =	sdelay $0x3  }
0x1f2: {  	[tilespmem:v5+s26+$0x0] =	vst.idx.add.s32.msk $0xffff, v2  }
0x1f3: {  	[tilespmem:v3+s26+$0x0] =	vst.idx.add.s32.msk $0xffff, v2  }
0x1f4: {  	[tilespmem:v4+s26+$0x0] =	vst.idx.add.s32.msk $0xffff, v2  }
0x1f5: {  	v3 =	vld [tilespmem:s29+$0xFFFFF040]  }
0x1f6: {  	s3 =	sand.u32 $0x1F0, s4;
	v4 =	vld [tilespmem:s29+$0xFFFFF200]  }
0x1f7: {  	v5 =	vld [tilespmem:s3+$0x10380]  }
0x1f8: {  	v6 =	vld [tilespmem:s29+$0xFFFFF580]  }
0x1f9: {  	v7 =	vld [tilespmem:s3+$0x10700]  }
0x1fa: {  	v8 =	vld [tilespmem:s29+$0xFFFFF900]  }
0x1fb: {  	v9 =	vld [tilespmem:s3+$0x10A80]  }
0x1fc: {  	v10 =	vld [tilespmem:s29+$0xFFFFFC80]  }
0x1fd: {  	v11 =	vld [tilespmem:s3+$0x10E00]  }
0x1fe: {  	v12 =	vld [tilespmem:s29+$0x0]  }
0x1ff: {  	v13 =	vld [tilespmem:s3+$0x11180]  }
0x200: {  	v14 =	vld [tilespmem:s29+$0x380]  }
0x201: {  	v15 =	vld [tilespmem:s3+$0x11500]  }
0x202: {  	v16 =	vld [tilespmem:s29+$0x700]  }
0x203: {  	v17 =	vld [tilespmem:s3+$0x11880]  }
0x204: {  	v18 =	vld [tilespmem:s29+$0xA80];
	s3 =	simm.s32 $0x10FD0  }
0x205: {  	s30 =	simm.s32 $0x10;
	v19 =	vld [tilespmem:s3+$0xFFFFF040]  }
0x206: {  	s4 =	sand.u32 $0x1F0, s30;
	v20 =	vld [tilespmem:s3+$0xFFFFF200]  }
0x207: {  	v3 =	vadd.s32 v3, v4;
	v4 =	vld [tilespmem:s4+$0x10380]  }
0x208: {  	v3 =	vadd.s32 v5, v3;
	v5 =	vld [tilespmem:s3+$0xFFFFF580]  }
0x209: {  	v3 =	vadd.s32 v6, v3;
	v6 =	vld [tilespmem:s4+$0x10700]  }
0x20a: {  	v3 =	vadd.s32 v7, v3;
	v7 =	vld [tilespmem:s3+$0xFFFFF900]  }
0x20b: {  	v63 =	vld [tilespmem:s4+$0x10A80];
	v3 =	vadd.s32 v8, v3;
	v8 =	vadd.s32 v19, v20  }
0x20c: {  	v3 =	vadd.s32 v9, v3;
	v4 =	vadd.s32 v4, v8;
	v8 =	vld [tilespmem:s3+$0xFFFFFC80]  }
0x20d: {  	v3 =	vadd.s32 v10, v3;
	v4 =	vadd.s32 v5, v4;
	v5 =	vld [tilespmem:s4+$0x10E00]  }
0x20e: {  	v3 =	vadd.s32 v11, v3;
	v4 =	vadd.s32 v6, v4;
	v6 =	vld [tilespmem:s3+$0x0]  }
0x20f: {  	v3 =	vadd.s32 v12, v3;
	v4 =	vadd.s32 v7, v4;
	v7 =	vld [tilespmem:s4+$0x11180]  }
0x210: {  	v9 =	vld [tilespmem:s3+$0x380];
	v3 =	vadd.s32 v13, v3;
	v4 =	vadd.s32 v63, v4  }
0x211: {  	v10 =	vld [tilespmem:s4+$0x11500];
	v3 =	vadd.s32 v14, v3;
	v4 =	vadd.s32 v8, v4  }
0x212: {  	v8 =	vadd.s32 v15, v3;
	v4 =	vadd.s32 v5, v4;
	v3 =	vld [tilespmem:s3+$0x700]  }
0x213: {  	v5 =	vadd.s32 v16, v8;
	v6 =	vadd.s32 v6, v4;
	v4 =	vld [tilespmem:s4+$0x11880]  }
0x214: {  	s28 =	simm.s32 $0x10FE0;
	v8 =	vadd.s32 v17, v5;
	v6 =	vadd.s32 v7, v6;
	v5 =	vld [tilespmem:s3+$0xA80]  }
0x215: {  	s30 =	simm.s32 $0x20;
	v7 =	vadd.s32 v18, v8;
	v9 =	vadd.s32 v9, v6;
	v6 =	vld [tilespmem:s28+$0xFFFFF040]  }
0x216: {  	s29 =	simm.s32 $0x30;
	s3 =	sand.u32 $0x1F0, s30;
	v8 =	vld [tilespmem:s28+$0xFFFFF200];
	[tilespmem:s1+$0x0] =	vst v7;
	v7 =	vadd.s32 v10, v9  }
.LBB2_20:
0x217: {  	p0 =	sne.s32 s29, $0x1B0;
	v9 =	vld [tilespmem:s3+$0x10380];
	v3 =	vadd.s32 v3, v7  }
0x218: {  	v7 =	vld [tilespmem:s28+$0xFFFFF580];
	v3 =	vadd.s32 v4, v3  }
0x219: {  	s1 =	sadd.s32 $0x10, s1;
	v4 =	vld [tilespmem:s3+$0x10700];
	v3 =	vadd.s32 v5, v3  }
0x21a: {  	v5 =	vld [tilespmem:s28+$0xFFFFF900];
	[tilespmem:s1+$0x0] =	vst v3  }
0x21b: {  	v3 =	vadd.s32 v6, v8;
	v6 =	vld [tilespmem:s3+$0x10A80]  }
0x21c: {  	v3 =	vadd.s32 v9, v3;
	v8 =	vld [tilespmem:s28+$0xFFFFFC80]  }
0x21d: {  	v3 =	vadd.s32 v7, v3;
	v7 =	vld [tilespmem:s3+$0x10E00]  }
0x21e: {  	v3 =	vadd.s32 v4, v3;
	v4 =	vld [tilespmem:s28+$0x0]  }
0x21f: {  	v3 =	vadd.s32 v5, v3;
	v5 =	vld [tilespmem:s3+$0x11180]  }
0x220: {  	v3 =	vadd.s32 v6, v3;
	v9 =	vld [tilespmem:s28+$0x380]  }
0x221: {  	v3 =	vadd.s32 v8, v3;
	v10 =	vld [tilespmem:s3+$0x11500]  }
.Ltmp9:
0x222: {  	v6 =	vadd.s32 v7, v3;
	v3 =	vld [tilespmem:s28+$0x700];
	(pc) =	sbr.rel @p0 .LBB2_20-.Ltmp9, $4  }
0x223: {  	v6 =	vadd.s32 v4, v6;
	v4 =	vld [tilespmem:s3+$0x11880]  }
0x224: {  	v7 =	vadd.s32 v5, v6;
	v5 =	vld [tilespmem:s28+$0xA80];
	s28 =	sadd.s32 $0x10, s28  }
0x225: {  	v6 =	vld [tilespmem:s28+$0xFFFFF040];
	v7 =	vadd.s32 v9, v7  }
0x226: {  	s3 =	sand.u32 $0x1F0, s29;
	s29 =	sadd.s32 $0x10, s29;
	v8 =	vld [tilespmem:s28+$0xFFFFF200];
	v7 =	vadd.s32 v10, v7  }
0x227: {  	v9 =	vld [tilespmem:s3+$0x10380]  }
0x228: {  	v10 =	vld [tilespmem:s28+$0xFFFFF580]  }
0x229: {  	v11 =	vld [tilespmem:s3+$0x10700]  }
0x22a: {  	v12 =	vld [tilespmem:s28+$0xFFFFF900]  }
0x22b: {  	v53 =	vld [tilespmem:s3+$0x10A80];
	v6 =	vadd.s32 v6, v8  }
0x22c: {  	v54 =	vld [tilespmem:s28+$0xFFFFFC80];
	v6 =	vadd.s32 v9, v6  }
0x22d: {  	v55 =	vld [tilespmem:s3+$0x10E00];
	v6 =	vadd.s32 v10, v6  }
0x22e: {  	v56 =	vld [tilespmem:s28+$0x0];
	v6 =	vadd.s32 v11, v6  }
0x22f: {  	v57 =	vld [tilespmem:s3+$0x11180];
	v6 =	vadd.s32 v12, v6  }
0x230: {  	v58 =	vld [tilespmem:s28+$0x380];
	v6 =	vadd.s32 v53, v6  }
0x231: {  	v59 =	vld [tilespmem:s3+$0x11500];
	v6 =	vadd.s32 v54, v6  }
0x232: {  	v60 =	vld [tilespmem:s28+$0x700];
	v6 =	vadd.s32 v55, v6  }
0x233: {  	v61 =	vld [tilespmem:s3+$0x11880];
	v6 =	vadd.s32 v56, v6  }
0x234: {  	v62 =	vld [tilespmem:s28+$0xA80];
	v6 =	vadd.s32 v57, v6  }
0x235: {  	v6 =	vadd.s32 v58, v6  }
0x236: {  	v3 =	vadd.s32 v3, v7;
	v6 =	vadd.s32 v59, v6  }
0x237: {  	v3 =	vadd.s32 v4, v3;
	v63 =	vadd.s32 v60, v6  }
0x238: {  	s1 =	sadd.s32 $0x10, s1;
	s0 =	sadd.s32 $0x1, s0;
	v3 =	vadd.s32 v5, v3;
	v4 =	vadd.s32 v61, v63  }
0x239: {  	s29 =	simm.s32 $0x80;
	p0 =	sne.s32 s0, s20;
	[tilespmem:s1+$0x0] =	vst v3;
	s1 =	sadd.s32 $0x10, s1;
	v3 =	vadd.s32 v62, v4  }
.Ltmp10:
0x23a: {  	s30 =	simm.s32 $0x400;
	s4 =	simm.s32 $0x11C00;
	[tilespmem:s1+$0x0] =	vst v3;
	(pc) =	sbr.rel @p0 .LBB2_1-.Ltmp10, $4  }
0x23b: {  	[hbm4b:s19+s29] =	stream.strided.scatter [tilespmem:s4], [sflag:$0x3], $0x200, s30, s29, $0x38;
	[tilespmem:$0x11E00] =	vst v63  }
0x23c: {  	_ =	swait.ge [sflag:s31], $0x200  }
0x23d: {  	[sflag:s31] =	ssyncset.done $0x0  }
0x23e: {  	[sflag:s31] =	ssyncadd.s32 $0xFFFFFE00  }
0x23f: {  	_ =	sfence.sel $0x180000  }
0x240: {  	[bflag:$0x0] =	sbarrier.arrive $0xFFFF  }
0x241: {  	_ =	strace $0x90000047  }
0x242: {  	s0 =	stileid.u32;
	[bflag:$0x2] =	sbarrier.arrive $0xFFFF  }
0x243: {  	p0 =	sne.s32 s0, $0x0;
	s0 =	rddreg [dreg:$0x3]  }
0x244: {  	s0 =	sadd.s32 @!p0 $0x100000, s0  }
0x245: {  	[sflag:s0] =	ssyncadd.tile.s32 @!p0 $0x1;
	_ =	shalt  }
.Lfunc_end2:
_tile_overlayer_lowered:
.L_overlay_start_2:
0x246: {  	(tag) =	ssettag $0x2  }
0x247: {  	s0 =	rddreg [dreg:$0x0];
	s2 =	stileid.u32  }
0x248: {  	s1 =	rddreg [dreg:$0x1];
	p0 =	sne.s32 s2, $0x0  }
0x249: {  	s3 =	rddreg [dreg:$0x2];
	[bflag:$0x3] =	sbarrier.arrive $0xFFFF;
	s2 =	simm.s32 @!p0 $0x1C03  }
0x24a: {  	[timem:s3], [sflag:s2] =	dma.local @!p0 [hbm:s0], s1  }
0x24b: {  	s0 =	simm.s32 @!p0 $0x3  }
0x24c: {  	_ =	swait.ge @!p0 [sflag:s0], s1  }
0x24d: {  	s1 =	ssub.s32 @!p0 $0x0, s1;
	[sflag:s0] =	ssyncset.done @!p0 $0x0  }
0x24e: {  	[sflag:s0] =	ssyncadd.s32 @!p0 s1  }
0x24f: {  	[bflag:$0x3] =	sbarrier.arrive $0xFFFF  }
0x250: {  	_ =	shalt  }

</sc_bundles>
